<compile_context>
chip_gen: v7x
topology: tpu7x:2x2x1
jax: 0.10.2.dev20260603
libtpu: 0.0.44.dev20260713+nightly
codegen_flags: <defaults>
</compile_context>

<pallas_src>
import jax
import jax.numpy as jnp
import numpy as np
from jax import lax
from jax.experimental import pallas as pl
from jax.experimental.pallas import tpu as pltpu

EMBED_DIM = 64
SIGMA_D = 0.2
SIGMA_A = 15.0
ANGLE_K = 3
FACTOR_A = 180.0 / (SIGMA_A * np.pi)
N_POINTS = 1024
ROW_BLOCK = 64
COL_BLOCK = 128
KNN_ROW_BLOCK = 64

_DIV_TERM = np.exp(
    np.arange(0, EMBED_DIM, 2, dtype=np.float32) * (-np.log(10000.0) / EMBED_DIM)
).astype(np.float32).reshape(1, EMBED_DIM // 2)


def _dist_tile(rows, pts_t):
    px, py, pz = pts_t[0:1, :], pts_t[1:2, :], pts_t[2:3, :]
    rx, ry, rz = rows[:, 0:1], rows[:, 1:2], rows[:, 2:3]
    xy = jnp.dot(rows, pts_t, preferred_element_type=jnp.float32)
    x2a = px * px + py * py + pz * pz
    x2r = rx * rx + ry * ry + rz * rz
    return jnp.sqrt(jnp.maximum((x2r - 2.0 * xy) + x2a, 0.0))


def _knn_body(pts_t_ref, rows_ref, o_ref):
    r, n = KNN_ROW_BLOCK, N_POINTS
    pts_t = pts_t_ref[...]
    rows = rows_ref[...]
    px, py, pz = pts_t[0:1, :], pts_t[1:2, :], pts_t[2:3, :]
    rx, ry, rz = rows[:, 0:1], rows[:, 1:2], rows[:, 2:3]
    dist = _dist_tile(rows, pts_t)
    iota = lax.broadcasted_iota(jnp.int32, (r, n), 1)
    work = dist
    for t in range(ANGLE_K + 1):
        mn = jnp.min(work, axis=1, keepdims=True)
        sel = jnp.min(jnp.where(work == mn, iota, n), axis=1, keepdims=True)
        if t > 0:
            onehot = iota == sel
            nx = jnp.sum(jnp.where(onehot, px, 0.0), axis=1, keepdims=True)
            ny = jnp.sum(jnp.where(onehot, py, 0.0), axis=1, keepdims=True)
            nz = jnp.sum(jnp.where(onehot, pz, 0.0), axis=1, keepdims=True)
            base = 3 * (t - 1)
            o_ref[:, base:base + 1] = nx - rx
            o_ref[:, base + 1:base + 2] = ny - ry
            o_ref[:, base + 2:base + 3] = nz - rz
        work = jnp.where(iota == sel, jnp.float32(3.0e38), work)


_INV_2PI = float(1.0 / (2.0 * np.pi))
_SC = (6.28305406, -41.33112111, 81.3654677, -74.47078941, 32.76852614)
_CC = (0.99999921, -19.73898031, 64.92865571, -85.27159959, 58.79037925,
       -21.07090497)


def _sincos(x):
    y = x * _INV_2PI
    r = y - jnp.floor(y + 0.5)
    u = r * r
    s = r * (_SC[0] + u * (_SC[1] + u * (_SC[2] + u * (_SC[3] + u * _SC[4]))))
    c = _CC[0] + u * (_CC[1] + u * (_CC[2] + u * (_CC[3] + u * (
        _CC[4] + u * _CC[5]))))
    return s, c


def _embed(field, div3, w_sin, w_cos):
    r, c = field.shape
    args = field[:, :, None] * div3
    s, co = _sincos(args)
    s = s.astype(jnp.bfloat16).reshape(r * c, EMBED_DIM // 2)
    co = co.astype(jnp.bfloat16).reshape(r * c, EMBED_DIM // 2)
    o = (jnp.dot(s, w_sin, preferred_element_type=jnp.float32)
         + jnp.dot(co, w_cos, preferred_element_type=jnp.float32))
    return o.reshape(r, c, EMBED_DIM)


def _emb_body(pts_c_ref, rows_ref, ev_ref, div_ref, wds_ref, wdc_ref,
              was_ref, wac_ref, bias_ref, out_ref):
    pts_c = pts_c_ref[...]
    rows = rows_ref[...]
    pcx, pcy, pcz = pts_c[0:1, :], pts_c[1:2, :], pts_c[2:3, :]
    rx, ry, rz = rows[:, 0:1], rows[:, 1:2], rows[:, 2:3]
    dist = _dist_tile(rows, pts_c)
    ax, ay, az = pcx - rx, pcy - ry, pcz - rz

    div3 = div_ref[...].reshape(1, 1, EMBED_DIM // 2)
    for k in range(ANGLE_K):
        ex = ev_ref[:, 3 * k:3 * k + 1]
        ey = ev_ref[:, 3 * k + 1:3 * k + 2]
        ez = ev_ref[:, 3 * k + 2:3 * k + 3]
        cx = ey * az - ez * ay
        cy = ez * ax - ex * az
        cz = ex * ay - ey * ax
        sinv = jnp.sqrt(cx * cx + cy * cy + cz * cz)
        cosv = ex * ax + ey * ay + ez * az
        cosv = jnp.where(cosv == 0.0, jnp.float32(0.0), cosv)
        ang = jnp.arctan2(sinv, cosv)
        e = _embed(ang * FACTOR_A, div3, was_ref[...], wac_ref[...])
        if k == 0:
            out_ref[...] = e
        else:
            out_ref[...] = jnp.maximum(out_ref[...], e)

    dout = _embed(dist / SIGMA_D, div3, wds_ref[...], wdc_ref[...])
    out_ref[...] = out_ref[...] + dout + bias_ref[...].reshape(1, 1, EMBED_DIM)


@jax.jit
def _run(pts, w_d, b_d, w_a, b_a):
    n = N_POINTS
    pts_t = pts.T

    evecs = pl.pallas_call(
        _knn_body,
        grid=(n // KNN_ROW_BLOCK,),
        in_specs=[
            pl.BlockSpec((3, n), lambda i: (0, 0)),
            pl.BlockSpec((KNN_ROW_BLOCK, 3), lambda i: (i, 0)),
        ],
        out_specs=pl.BlockSpec((KNN_ROW_BLOCK, 16), lambda i: (i, 0)),
        out_shape=jax.ShapeDtypeStruct((n, 16), jnp.float32),
        compiler_params=pltpu.CompilerParams(
            dimension_semantics=("arbitrary",),
        ),
    )(pts_t, pts)

    grid = (n // ROW_BLOCK, n // COL_BLOCK)
    out = pl.pallas_call(
        _emb_body,
        grid=grid,
        in_specs=[
            pl.BlockSpec((3, COL_BLOCK), lambda i, j: (0, j)),
            pl.BlockSpec((ROW_BLOCK, 3), lambda i, j: (i, 0)),
            pl.BlockSpec((ROW_BLOCK, 16), lambda i, j: (i, 0)),
            pl.BlockSpec((1, EMBED_DIM // 2), lambda i, j: (0, 0)),
            pl.BlockSpec((EMBED_DIM // 2, EMBED_DIM), lambda i, j: (0, 0)),
            pl.BlockSpec((EMBED_DIM // 2, EMBED_DIM), lambda i, j: (0, 0)),
            pl.BlockSpec((EMBED_DIM // 2, EMBED_DIM), lambda i, j: (0, 0)),
            pl.BlockSpec((EMBED_DIM // 2, EMBED_DIM), lambda i, j: (0, 0)),
            pl.BlockSpec((1, EMBED_DIM), lambda i, j: (0, 0)),
        ],
        out_specs=pl.BlockSpec((ROW_BLOCK, COL_BLOCK, EMBED_DIM),
                               lambda i, j: (i, j, 0)),
        out_shape=jax.ShapeDtypeStruct((n, n, EMBED_DIM), jnp.float32),
        compiler_params=pltpu.CompilerParams(
            dimension_semantics=("arbitrary", "arbitrary"),
        ),
    )(pts_t, pts, evecs, jnp.asarray(_DIV_TERM),
      w_d[:32].astype(jnp.bfloat16), w_d[32:].astype(jnp.bfloat16),
      w_a[:32].astype(jnp.bfloat16), w_a[32:].astype(jnp.bfloat16),
      (b_d + b_a).reshape(1, EMBED_DIM))
    return out[None]


def kernel(points, W_d, b_d, W_a, b_a):
    return _run(points[0], W_d, b_d, W_a, b_a)

# --- scband reference (transcript-rebuilt; emitter-appended) ---
"""Pipeline reference for scband-geometric-structure-embedding-71829033058414 (READ-ONLY COPY).

The authoritative reference and input builder live on the scoring server;
editing this copy changes nothing except your own understanding.
"""

import jax, jax.numpy as jnp
import numpy as np

EMBED_DIM = 64
SIGMA_D = 0.2
SIGMA_A = 15.0
ANGLE_K = 3
FACTOR_A = 180.0 / (SIGMA_A * np.pi)


def pairwise_distance(x, y):
    # (B, N, 3), (B, M, 3) -> squared distances (B, N, M)
    x2 = jnp.sum(x * x, axis=-1, keepdims=True)  # (B, N, 1)
    y2 = jnp.sum(y * y, axis=-1, keepdims=True)  # (B, M, 1)
    xy = jnp.einsum('bnd,bmd->bnm', x, y)
    d2 = x2 - 2.0 * xy + jnp.swapaxes(y2, 1, 2)
    return jnp.maximum(d2, 0.0)


def sinusoidal_embedding(emb_indices, d_model=EMBED_DIM):
    div_term = jnp.exp(jnp.arange(0, d_model, 2, dtype=jnp.float32) * (-np.log(10000.0) / d_model))
    omegas = emb_indices.reshape(-1, 1, 1) * div_term  # (T, 1, d/2)
    sin_e = jnp.sin(omegas)
    cos_e = jnp.cos(omegas)
    emb = jnp.concatenate([sin_e, cos_e], axis=-1)  # (T, 1, d)
    return emb.reshape(emb_indices.shape + (d_model,))


def setup_inputs(seed: int = 0) -> dict:
    key = jax.random.key(seed)
    k1, k2, k3, k4, k5 = jax.random.split(key, 5)
    points = jax.random.normal(k1, (1, 1024, 3), dtype=jnp.float32)
    limit = np.sqrt(6.0 / (EMBED_DIM + EMBED_DIM))
    W_d = jax.random.uniform(k2, (EMBED_DIM, EMBED_DIM), dtype=jnp.float32, minval=-limit, maxval=limit)
    b_d = jnp.zeros((EMBED_DIM,), dtype=jnp.float32)
    W_a = jax.random.uniform(k3, (EMBED_DIM, EMBED_DIM), dtype=jnp.float32, minval=-limit, maxval=limit)
    b_a = jnp.zeros((EMBED_DIM,), dtype=jnp.float32)
    return {"points": points, "W_d": W_d, "b_d": b_d, "W_a": W_a, "b_a": b_a}


def reference(points, W_d, b_d, W_a, b_a):
    B, N, _ = points.shape
    dist_map = jnp.sqrt(pairwise_distance(points, points))  # (B, N, N)
    d_indices = dist_map / SIGMA_D

    neg_dist = -dist_map
    values, indices = jax.lax.top_k(neg_dist, ANGLE_K + 1)
    knn_indices = indices[:, :, 1:]  # (B, N, k)

    # knn_points: gather points at knn_indices -> (B, N, k, 3)
    knn_points = jnp.take_along_axis(
        points[:, None, :, :].repeat(N, axis=1),  # (B, N, N, 3)
        knn_indices[..., None].repeat(3, axis=-1),
        axis=2,
    )  # (B, N, k, 3)

    ref_vectors = knn_points - points[:, :, None, :]  # (B, N, k, 3)
    anc_vectors = points[:, None, :, :] - points[:, :, None, :]  # (B, N, N, 3)
    ref_v = jnp.broadcast_to(ref_vectors[:, :, None, :, :], (B, N, N, ANGLE_K, 3))
    anc_v = jnp.broadcast_to(anc_vectors[:, :, :, None, :], (B, N, N, ANGLE_K, 3))
    cross = jnp.cross(ref_v, anc_v)
    sin_values = jnp.linalg.norm(cross, axis=-1)
    cos_values = jnp.sum(ref_v * anc_v, axis=-1)
    angles = jnp.arctan2(sin_values, cos_values)
    a_indices = angles * FACTOR_A  # (B, N, N, k)

    d_embeddings = sinusoidal_embedding(d_indices)  # (B, N, N, D)
    d_embeddings = d_embeddings @ W_d + b_d

    a_embeddings = sinusoidal_embedding(a_indices)  # (B, N, N, k, D)
    a_embeddings = a_embeddings @ W_a + b_a
    a_embeddings = jnp.max(a_embeddings, axis=3)  # reduction_a = 'max'

    return d_embeddings + a_embeddings

if __name__ == "__main__":
    import jax
    _d = setup_inputs()
    print(jax.jit(kernel)(*tuple(_d.values())))

</pallas_src>

<mosaic_0001>
module attributes {stable_mosaic.version = 14 : i64} {
  func.func @_knn_body(%arg0: i32, %arg1: memref<3x1024xf32, #tpu.memory_space<vmem>>, %arg2: memref<64x3xf32, #tpu.memory_space<vmem>>, %arg3: memref<64x16xf32, #tpu.memory_space<vmem>>) attributes {dimension_semantics = [#tpu.dimension_semantics<arbitrary>], iteration_bounds = array<i64: 16>, scalar_prefetch = 0 : i64, scratch_operands = 0 : i64, tpu.core_type = #tpu.core_type<tc>, window_params = [{pipeline_mode = #tpu.pipeline_mode<synchronous>, transform_indices = @transform_0, window_bounds = array<i64: 3, 1024>}, {transform_indices = @transform_1, window_bounds = array<i64: 64, 3>}, {transform_indices = @transform_2, window_bounds = array<i64: 64, 16>}]} {
    %get3A = arith.constant 0 : index
    %get3A_0 = arith.constant 0 : index
    %get3A_1 = vector.load %arg1[%get3A, %get3A_0] : memref<3x1024xf32, #tpu.memory_space<vmem>>, vector<3x1024xf32>
    %get3A_2 = arith.constant 0 : index
    %get3A_3 = arith.constant 0 : index
    %get3A_4 = vector.load %arg2[%get3A_2, %get3A_3] : memref<64x3xf32, #tpu.memory_space<vmem>>, vector<64x3xf32>
    %slice3A = vector.extract_strided_slice %get3A_1 {offsets = [0, 0], sizes = [1, 1024], strides = [1, 1]} : vector<3x1024xf32> to vector<1x1024xf32>
    %slice3A_5 = vector.extract_strided_slice %get3A_1 {offsets = [1, 0], sizes = [1, 1024], strides = [1, 1]} : vector<3x1024xf32> to vector<1x1024xf32>
    %slice3A_6 = vector.extract_strided_slice %get3A_1 {offsets = [2, 0], sizes = [1, 1024], strides = [1, 1]} : vector<3x1024xf32> to vector<1x1024xf32>
    %slice3A_7 = vector.extract_strided_slice %get3A_4 {offsets = [0, 0], sizes = [64, 1], strides = [1, 1]} : vector<64x3xf32> to vector<64x1xf32>
    %slice3A_8 = vector.extract_strided_slice %get3A_4 {offsets = [0, 1], sizes = [64, 1], strides = [1, 1]} : vector<64x3xf32> to vector<64x1xf32>
    %slice3A_9 = vector.extract_strided_slice %get3A_4 {offsets = [0, 2], sizes = [64, 1], strides = [1, 1]} : vector<64x3xf32> to vector<64x1xf32>
    %slice3A_10 = vector.extract_strided_slice %get3A_1 {offsets = [0, 0], sizes = [1, 1024], strides = [1, 1]} : vector<3x1024xf32> to vector<1x1024xf32>
    %slice3A_11 = vector.extract_strided_slice %get3A_1 {offsets = [1, 0], sizes = [1, 1024], strides = [1, 1]} : vector<3x1024xf32> to vector<1x1024xf32>
    %slice3A_12 = vector.extract_strided_slice %get3A_1 {offsets = [2, 0], sizes = [1, 1024], strides = [1, 1]} : vector<3x1024xf32> to vector<1x1024xf32>
    %slice3A_13 = vector.extract_strided_slice %get3A_4 {offsets = [0, 0], sizes = [64, 1], strides = [1, 1]} : vector<64x3xf32> to vector<64x1xf32>
    %slice3A_14 = vector.extract_strided_slice %get3A_4 {offsets = [0, 1], sizes = [64, 1], strides = [1, 1]} : vector<64x3xf32> to vector<64x1xf32>
    %slice3A_15 = vector.extract_strided_slice %get3A_4 {offsets = [0, 2], sizes = [64, 1], strides = [1, 1]} : vector<64x3xf32> to vector<64x1xf32>
    %dot_general3A = arith.constant dense<0.000000e+00> : vector<64x1024xf32>
    %dot_general3A_16 = tpu.matmul %get3A_4, %get3A_1, %dot_general3A {dimension_numbers = #tpu.dot_dimension_numbers<[1], [0], [0], [1], [0, 0, 1, 1], [], []>, transpose_lhs_hint = false} : vector<64x3xf32>, vector<3x1024xf32>, vector<64x1024xf32> -> vector<64x1024xf32>
    %mul3A = arith.mulf %slice3A_10, %slice3A_10 : vector<1x1024xf32>
    %mul3A_17 = arith.mulf %slice3A_11, %slice3A_11 : vector<1x1024xf32>
    %add3A = arith.addf %mul3A, %mul3A_17 : vector<1x1024xf32>
    %mul3A_18 = arith.mulf %slice3A_12, %slice3A_12 : vector<1x1024xf32>
    %add3A_19 = arith.addf %add3A, %mul3A_18 : vector<1x1024xf32>
    %mul3A_20 = arith.mulf %slice3A_13, %slice3A_13 : vector<64x1xf32>
    %mul3A_21 = arith.mulf %slice3A_14, %slice3A_14 : vector<64x1xf32>
    %add3A_22 = arith.addf %mul3A_20, %mul3A_21 : vector<64x1xf32>
    %mul3A_23 = arith.mulf %slice3A_15, %slice3A_15 : vector<64x1xf32>
    %add3A_24 = arith.addf %add3A_22, %mul3A_23 : vector<64x1xf32>
    %mul3A_25 = arith.constant 2.000000e+00 : f32
    %mul3A_26 = vector.broadcast %mul3A_25 : f32 to vector<64x1024xf32>
    %mul3A_27 = arith.mulf %mul3A_26, %dot_general3A_16 : vector<64x1024xf32>
    %sub3A = vector.broadcast %add3A_24 : vector<64x1xf32> to vector<64x1024xf32>
    %sub3A_28 = arith.subf %sub3A, %mul3A_27 : vector<64x1024xf32>
    %add3A_29 = vector.broadcast %add3A_19 : vector<1x1024xf32> to vector<64x1024xf32>
    %add3A_30 = arith.addf %sub3A_28, %add3A_29 : vector<64x1024xf32>
    %max3A = arith.constant 0.000000e+00 : f32
    %max3A_31 = vector.broadcast %max3A : f32 to vector<64x1024xf32>
    %max3A_32 = arith.maximumf %add3A_30, %max3A_31 : vector<64x1024xf32>
    %sqrt3A = math.sqrt %max3A_32 : vector<64x1024xf32>
    %iota3A = tpu.iota {dimensions = array<i32: 1>} : vector<64x1024xi32>
    %reduce_min3A = arith.constant dense<0x7F800000> : vector<64xf32>
    %reduce_min3A_33 = vector.multi_reduction <minimumf>, %sqrt3A, %reduce_min3A [1] : vector<64x1024xf32> to vector<64xf32>
    %broadcast_in_dim3A = vector.shape_cast %reduce_min3A_33 : vector<64xf32> to vector<64x1xf32>
    %eq3A = vector.broadcast %broadcast_in_dim3A : vector<64x1xf32> to vector<64x1024xf32>
    %eq3A_34 = arith.cmpf oeq, %sqrt3A, %eq3A : vector<64x1024xf32>
    %jit3A = arith.constant 1024 : i32
    %broadcast_in_dim3A_35 = vector.broadcast %jit3A : i32 to vector<64x1024xi32>
    %select_n3A = arith.select %eq3A_34, %iota3A, %broadcast_in_dim3A_35 : vector<64x1024xi1>, vector<64x1024xi32>
    %reduce_min3A_36 = arith.constant dense<2147483647> : vector<64xi32>
    %reduce_min3A_37 = vector.multi_reduction <minsi>, %select_n3A, %reduce_min3A_36 [1] : vector<64x1024xi32> to vector<64xi32>
    %broadcast_in_dim3A_38 = vector.shape_cast %reduce_min3A_37 : vector<64xi32> to vector<64x1xi32>
    %eq3A_39 = vector.broadcast %broadcast_in_dim3A_38 : vector<64x1xi32> to vector<64x1024xi32>
    %eq3A_40 = arith.cmpi eq, %iota3A, %eq3A_39 : vector<64x1024xi32>
    %jit3A_41 = arith.constant 3.000000e+38 : f32
    %broadcast_in_dim3A_42 = vector.broadcast %jit3A_41 : f32 to vector<64x1024xf32>
    %select_n3A_43 = arith.select %eq3A_40, %broadcast_in_dim3A_42, %sqrt3A : vector<64x1024xi1>, vector<64x1024xf32>
    %reduce_min3A_44 = arith.constant dense<0x7F800000> : vector<64xf32>
    %reduce_min3A_45 = vector.multi_reduction <minimumf>, %select_n3A_43, %reduce_min3A_44 [1] : vector<64x1024xf32> to vector<64xf32>
    %broadcast_in_dim3A_46 = vector.shape_cast %reduce_min3A_45 : vector<64xf32> to vector<64x1xf32>
    %eq3A_47 = vector.broadcast %broadcast_in_dim3A_46 : vector<64x1xf32> to vector<64x1024xf32>
    %eq3A_48 = arith.cmpf oeq, %select_n3A_43, %eq3A_47 : vector<64x1024xf32>
    %jit3A_49 = arith.constant 1024 : i32
    %broadcast_in_dim3A_50 = vector.broadcast %jit3A_49 : i32 to vector<64x1024xi32>
    %select_n3A_51 = arith.select %eq3A_48, %iota3A, %broadcast_in_dim3A_50 : vector<64x1024xi1>, vector<64x1024xi32>
    %reduce_min3A_52 = arith.constant dense<2147483647> : vector<64xi32>
    %reduce_min3A_53 = vector.multi_reduction <minsi>, %select_n3A_51, %reduce_min3A_52 [1] : vector<64x1024xi32> to vector<64xi32>
    %broadcast_in_dim3A_54 = vector.shape_cast %reduce_min3A_53 : vector<64xi32> to vector<64x1xi32>
    %eq3A_55 = vector.broadcast %broadcast_in_dim3A_54 : vector<64x1xi32> to vector<64x1024xi32>
    %eq3A_56 = arith.cmpi eq, %iota3A, %eq3A_55 : vector<64x1024xi32>
    %jit3A_57 = arith.constant 0.000000e+00 : f32
    %broadcast_in_dim3A_58 = vector.shape_cast %slice3A : vector<1x1024xf32> to vector<1x1024xf32>
    %broadcast_in_dim3A_59 = vector.broadcast %broadcast_in_dim3A_58 : vector<1x1024xf32> to vector<64x1024xf32>
    %broadcast_in_dim3A_60 = vector.broadcast %jit3A_57 : f32 to vector<64x1024xf32>
    %select_n3A_61 = arith.select %eq3A_56, %broadcast_in_dim3A_59, %broadcast_in_dim3A_60 : vector<64x1024xi1>, vector<64x1024xf32>
    %reduce_sum3A = arith.constant dense<0.000000e+00> : vector<64xf32>
    %reduce_sum3A_62 = vector.multi_reduction <add>, %select_n3A_61, %reduce_sum3A [1] : vector<64x1024xf32> to vector<64xf32>
    %broadcast_in_dim3A_63 = vector.shape_cast %reduce_sum3A_62 : vector<64xf32> to vector<64x1xf32>
    %jit3A_64 = arith.constant 0.000000e+00 : f32
    %broadcast_in_dim3A_65 = vector.shape_cast %slice3A_5 : vector<1x1024xf32> to vector<1x1024xf32>
    %broadcast_in_dim3A_66 = vector.broadcast %broadcast_in_dim3A_65 : vector<1x1024xf32> to vector<64x1024xf32>
    %broadcast_in_dim3A_67 = vector.broadcast %jit3A_64 : f32 to vector<64x1024xf32>
    %select_n3A_68 = arith.select %eq3A_56, %broadcast_in_dim3A_66, %broadcast_in_dim3A_67 : vector<64x1024xi1>, vector<64x1024xf32>
    %reduce_sum3A_69 = arith.constant dense<0.000000e+00> : vector<64xf32>
    %reduce_sum3A_70 = vector.multi_reduction <add>, %select_n3A_68, %reduce_sum3A_69 [1] : vector<64x1024xf32> to vector<64xf32>
    %broadcast_in_dim3A_71 = vector.shape_cast %reduce_sum3A_70 : vector<64xf32> to vector<64x1xf32>
    %jit3A_72 = arith.constant 0.000000e+00 : f32
    %broadcast_in_dim3A_73 = vector.shape_cast %slice3A_6 : vector<1x1024xf32> to vector<1x1024xf32>
    %broadcast_in_dim3A_74 = vector.broadcast %broadcast_in_dim3A_73 : vector<1x1024xf32> to vector<64x1024xf32>
    %broadcast_in_dim3A_75 = vector.broadcast %jit3A_72 : f32 to vector<64x1024xf32>
    %select_n3A_76 = arith.select %eq3A_56, %broadcast_in_dim3A_74, %broadcast_in_dim3A_75 : vector<64x1024xi1>, vector<64x1024xf32>
    %reduce_sum3A_77 = arith.constant dense<0.000000e+00> : vector<64xf32>
    %reduce_sum3A_78 = vector.multi_reduction <add>, %select_n3A_76, %reduce_sum3A_77 [1] : vector<64x1024xf32> to vector<64xf32>
    %broadcast_in_dim3A_79 = vector.shape_cast %reduce_sum3A_78 : vector<64xf32> to vector<64x1xf32>
    %sub3A_80 = arith.subf %broadcast_in_dim3A_63, %slice3A_7 : vector<64x1xf32>
    %swap3A = arith.constant 0 : index
    %swap3A_81 = arith.constant 0 : index
    %swap3A_82 = vector.load %arg3[%swap3A, %swap3A_81] : memref<64x16xf32, #tpu.memory_space<vmem>>, vector<64x1xf32>
    tpu.vector_store %arg3[%swap3A, %swap3A_81], %sub3A_80 {strides = array<i32>} : memref<64x16xf32, #tpu.memory_space<vmem>>, vector<64x1xf32>,
    %sub3A_83 = arith.subf %broadcast_in_dim3A_71, %slice3A_8 : vector<64x1xf32>
    %swap3A_84 = arith.constant 0 : index
    %swap3A_85 = arith.constant 1 : index
    %swap3A_86 = vector.load %arg3[%swap3A_84, %swap3A_85] : memref<64x16xf32, #tpu.memory_space<vmem>>, vector<64x1xf32>
    tpu.vector_store %arg3[%swap3A_84, %swap3A_85], %sub3A_83 {strides = array<i32>} : memref<64x16xf32, #tpu.memory_space<vmem>>, vector<64x1xf32>,
    %sub3A_87 = arith.subf %broadcast_in_dim3A_79, %slice3A_9 : vector<64x1xf32>
    %swap3A_88 = arith.constant 0 : index
    %swap3A_89 = arith.constant 2 : index
    %swap3A_90 = vector.load %arg3[%swap3A_88, %swap3A_89] : memref<64x16xf32, #tpu.memory_space<vmem>>, vector<64x1xf32>
    tpu.vector_store %arg3[%swap3A_88, %swap3A_89], %sub3A_87 {strides = array<i32>} : memref<64x16xf32, #tpu.memory_space<vmem>>, vector<64x1xf32>,
    %eq3A_91 = vector.broadcast %broadcast_in_dim3A_54 : vector<64x1xi32> to vector<64x1024xi32>
    %eq3A_92 = arith.cmpi eq, %iota3A, %eq3A_91 : vector<64x1024xi32>
    %jit3A_93 = arith.constant 3.000000e+38 : f32
    %broadcast_in_dim3A_94 = vector.broadcast %jit3A_93 : f32 to vector<64x1024xf32>
    %select_n3A_95 = arith.select %eq3A_92, %broadcast_in_dim3A_94, %select_n3A_43 : vector<64x1024xi1>, vector<64x1024xf32>
    %reduce_min3A_96 = arith.constant dense<0x7F800000> : vector<64xf32>
    %reduce_min3A_97 = vector.multi_reduction <minimumf>, %select_n3A_95, %reduce_min3A_96 [1] : vector<64x1024xf32> to vector<64xf32>
    %broadcast_in_dim3A_98 = vector.shape_cast %reduce_min3A_97 : vector<64xf32> to vector<64x1xf32>
    %eq3A_99 = vector.broadcast %broadcast_in_dim3A_98 : vector<64x1xf32> to vector<64x1024xf32>
    %eq3A_100 = arith.cmpf oeq, %select_n3A_95, %eq3A_99 : vector<64x1024xf32>
    %jit3A_101 = arith.constant 1024 : i32
    %broadcast_in_dim3A_102 = vector.broadcast %jit3A_101 : i32 to vector<64x1024xi32>
    %select_n3A_103 = arith.select %eq3A_100, %iota3A, %broadcast_in_dim3A_102 : vector<64x1024xi1>, vector<64x1024xi32>
    %reduce_min3A_104 = arith.constant dense<2147483647> : vector<64xi32>
    %reduce_min3A_105 = vector.multi_reduction <minsi>, %select_n3A_103, %reduce_min3A_104 [1] : vector<64x1024xi32> to vector<64xi32>
    %broadcast_in_dim3A_106 = vector.shape_cast %reduce_min3A_105 : vector<64xi32> to vector<64x1xi32>
    %eq3A_107 = vector.broadcast %broadcast_in_dim3A_106 : vector<64x1xi32> to vector<64x1024xi32>
    %eq3A_108 = arith.cmpi eq, %iota3A, %eq3A_107 : vector<64x1024xi32>
    %jit3A_109 = arith.constant 0.000000e+00 : f32
    %broadcast_in_dim3A_110 = vector.shape_cast %slice3A : vector<1x1024xf32> to vector<1x1024xf32>
    %broadcast_in_dim3A_111 = vector.broadcast %broadcast_in_dim3A_110 : vector<1x1024xf32> to vector<64x1024xf32>
    %broadcast_in_dim3A_112 = vector.broadcast %jit3A_109 : f32 to vector<64x1024xf32>
    %select_n3A_113 = arith.select %eq3A_108, %broadcast_in_dim3A_111, %broadcast_in_dim3A_112 : vector<64x1024xi1>, vector<64x1024xf32>
    %reduce_sum3A_114 = arith.constant dense<0.000000e+00> : vector<64xf32>
    %reduce_sum3A_115 = vector.multi_reduction <add>, %select_n3A_113, %reduce_sum3A_114 [1] : vector<64x1024xf32> to vector<64xf32>
    %broadcast_in_dim3A_116 = vector.shape_cast %reduce_sum3A_115 : vector<64xf32> to vector<64x1xf32>
    %jit3A_117 = arith.constant 0.000000e+00 : f32
    %broadcast_in_dim3A_118 = vector.shape_cast %slice3A_5 : vector<1x1024xf32> to vector<1x1024xf32>
    %broadcast_in_dim3A_119 = vector.broadcast %broadcast_in_dim3A_118 : vector<1x1024xf32> to vector<64x1024xf32>
    %broadcast_in_dim3A_120 = vector.broadcast %jit3A_117 : f32 to vector<64x1024xf32>
    %select_n3A_121 = arith.select %eq3A_108, %broadcast_in_dim3A_119, %broadcast_in_dim3A_120 : vector<64x1024xi1>, vector<64x1024xf32>
    %reduce_sum3A_122 = arith.constant dense<0.000000e+00> : vector<64xf32>
    %reduce_sum3A_123 = vector.multi_reduction <add>, %select_n3A_121, %reduce_sum3A_122 [1] : vector<64x1024xf32> to vector<64xf32>
    %broadcast_in_dim3A_124 = vector.shape_cast %reduce_sum3A_123 : vector<64xf32> to vector<64x1xf32>
    %jit3A_125 = arith.constant 0.000000e+00 : f32
    %broadcast_in_dim3A_126 = vector.shape_cast %slice3A_6 : vector<1x1024xf32> to vector<1x1024xf32>
    %broadcast_in_dim3A_127 = vector.broadcast %broadcast_in_dim3A_126 : vector<1x1024xf32> to vector<64x1024xf32>
    %broadcast_in_dim3A_128 = vector.broadcast %jit3A_125 : f32 to vector<64x1024xf32>
    %select_n3A_129 = arith.select %eq3A_108, %broadcast_in_dim3A_127, %broadcast_in_dim3A_128 : vector<64x1024xi1>, vector<64x1024xf32>
    %reduce_sum3A_130 = arith.constant dense<0.000000e+00> : vector<64xf32>
    %reduce_sum3A_131 = vector.multi_reduction <add>, %select_n3A_129, %reduce_sum3A_130 [1] : vector<64x1024xf32> to vector<64xf32>
    %broadcast_in_dim3A_132 = vector.shape_cast %reduce_sum3A_131 : vector<64xf32> to vector<64x1xf32>
    %sub3A_133 = arith.subf %broadcast_in_dim3A_116, %slice3A_7 : vector<64x1xf32>
    %swap3A_134 = arith.constant 0 : index
    %swap3A_135 = arith.constant 3 : index
    %swap3A_136 = vector.load %arg3[%swap3A_134, %swap3A_135] : memref<64x16xf32, #tpu.memory_space<vmem>>, vector<64x1xf32>
    tpu.vector_store %arg3[%swap3A_134, %swap3A_135], %sub3A_133 {strides = array<i32>} : memref<64x16xf32, #tpu.memory_space<vmem>>, vector<64x1xf32>,
    %sub3A_137 = arith.subf %broadcast_in_dim3A_124, %slice3A_8 : vector<64x1xf32>
    %swap3A_138 = arith.constant 0 : index
    %swap3A_139 = arith.constant 4 : index
    %swap3A_140 = vector.load %arg3[%swap3A_138, %swap3A_139] : memref<64x16xf32, #tpu.memory_space<vmem>>, vector<64x1xf32>
    tpu.vector_store %arg3[%swap3A_138, %swap3A_139], %sub3A_137 {strides = array<i32>} : memref<64x16xf32, #tpu.memory_space<vmem>>, vector<64x1xf32>,
    %sub3A_141 = arith.subf %broadcast_in_dim3A_132, %slice3A_9 : vector<64x1xf32>
    %swap3A_142 = arith.constant 0 : index
    %swap3A_143 = arith.constant 5 : index
    %swap3A_144 = vector.load %arg3[%swap3A_142, %swap3A_143] : memref<64x16xf32, #tpu.memory_space<vmem>>, vector<64x1xf32>
    tpu.vector_store %arg3[%swap3A_142, %swap3A_143], %sub3A_141 {strides = array<i32>} : memref<64x16xf32, #tpu.memory_space<vmem>>, vector<64x1xf32>,
    %eq3A_145 = vector.broadcast %broadcast_in_dim3A_106 : vector<64x1xi32> to vector<64x1024xi32>
    %eq3A_146 = arith.cmpi eq, %iota3A, %eq3A_145 : vector<64x1024xi32>
    %jit3A_147 = arith.constant 3.000000e+38 : f32
    %broadcast_in_dim3A_148 = vector.broadcast %jit3A_147 : f32 to vector<64x1024xf32>
    %select_n3A_149 = arith.select %eq3A_146, %broadcast_in_dim3A_148, %select_n3A_95 : vector<64x1024xi1>, vector<64x1024xf32>
    %reduce_min3A_150 = arith.constant dense<0x7F800000> : vector<64xf32>
    %reduce_min3A_151 = vector.multi_reduction <minimumf>, %select_n3A_149, %reduce_min3A_150 [1] : vector<64x1024xf32> to vector<64xf32>
    %broadcast_in_dim3A_152 = vector.shape_cast %reduce_min3A_151 : vector<64xf32> to vector<64x1xf32>
    %eq3A_153 = vector.broadcast %broadcast_in_dim3A_152 : vector<64x1xf32> to vector<64x1024xf32>
    %eq3A_154 = arith.cmpf oeq, %select_n3A_149, %eq3A_153 : vector<64x1024xf32>
    %jit3A_155 = arith.constant 1024 : i32
    %broadcast_in_dim3A_156 = vector.broadcast %jit3A_155 : i32 to vector<64x1024xi32>
    %select_n3A_157 = arith.select %eq3A_154, %iota3A, %broadcast_in_dim3A_156 : vector<64x1024xi1>, vector<64x1024xi32>
    %reduce_min3A_158 = arith.constant dense<2147483647> : vector<64xi32>
    %reduce_min3A_159 = vector.multi_reduction <minsi>, %select_n3A_157, %reduce_min3A_158 [1] : vector<64x1024xi32> to vector<64xi32>
    %broadcast_in_dim3A_160 = vector.shape_cast %reduce_min3A_159 : vector<64xi32> to vector<64x1xi32>
    %eq3A_161 = vector.broadcast %broadcast_in_dim3A_160 : vector<64x1xi32> to vector<64x1024xi32>
    %eq3A_162 = arith.cmpi eq, %iota3A, %eq3A_161 : vector<64x1024xi32>
    %jit3A_163 = arith.constant 0.000000e+00 : f32
    %broadcast_in_dim3A_164 = vector.shape_cast %slice3A : vector<1x1024xf32> to vector<1x1024xf32>
    %broadcast_in_dim3A_165 = vector.broadcast %broadcast_in_dim3A_164 : vector<1x1024xf32> to vector<64x1024xf32>
    %broadcast_in_dim3A_166 = vector.broadcast %jit3A_163 : f32 to vector<64x1024xf32>
    %select_n3A_167 = arith.select %eq3A_162, %broadcast_in_dim3A_165, %broadcast_in_dim3A_166 : vector<64x1024xi1>, vector<64x1024xf32>
    %reduce_sum3A_168 = arith.constant dense<0.000000e+00> : vector<64xf32>
    %reduce_sum3A_169 = vector.multi_reduction <add>, %select_n3A_167, %reduce_sum3A_168 [1] : vector<64x1024xf32> to vector<64xf32>
    %broadcast_in_dim3A_170 = vector.shape_cast %reduce_sum3A_169 : vector<64xf32> to vector<64x1xf32>
    %jit3A_171 = arith.constant 0.000000e+00 : f32
    %broadcast_in_dim3A_172 = vector.shape_cast %slice3A_5 : vector<1x1024xf32> to vector<1x1024xf32>
    %broadcast_in_dim3A_173 = vector.broadcast %broadcast_in_dim3A_172 : vector<1x1024xf32> to vector<64x1024xf32>
    %broadcast_in_dim3A_174 = vector.broadcast %jit3A_171 : f32 to vector<64x1024xf32>
    %select_n3A_175 = arith.select %eq3A_162, %broadcast_in_dim3A_173, %broadcast_in_dim3A_174 : vector<64x1024xi1>, vector<64x1024xf32>
    %reduce_sum3A_176 = arith.constant dense<0.000000e+00> : vector<64xf32>
    %reduce_sum3A_177 = vector.multi_reduction <add>, %select_n3A_175, %reduce_sum3A_176 [1] : vector<64x1024xf32> to vector<64xf32>
    %broadcast_in_dim3A_178 = vector.shape_cast %reduce_sum3A_177 : vector<64xf32> to vector<64x1xf32>
    %jit3A_179 = arith.constant 0.000000e+00 : f32
    %broadcast_in_dim3A_180 = vector.shape_cast %slice3A_6 : vector<1x1024xf32> to vector<1x1024xf32>
    %broadcast_in_dim3A_181 = vector.broadcast %broadcast_in_dim3A_180 : vector<1x1024xf32> to vector<64x1024xf32>
    %broadcast_in_dim3A_182 = vector.broadcast %jit3A_179 : f32 to vector<64x1024xf32>
    %select_n3A_183 = arith.select %eq3A_162, %broadcast_in_dim3A_181, %broadcast_in_dim3A_182 : vector<64x1024xi1>, vector<64x1024xf32>
    %reduce_sum3A_184 = arith.constant dense<0.000000e+00> : vector<64xf32>
    %reduce_sum3A_185 = vector.multi_reduction <add>, %select_n3A_183, %reduce_sum3A_184 [1] : vector<64x1024xf32> to vector<64xf32>
    %broadcast_in_dim3A_186 = vector.shape_cast %reduce_sum3A_185 : vector<64xf32> to vector<64x1xf32>
    %sub3A_187 = arith.subf %broadcast_in_dim3A_170, %slice3A_7 : vector<64x1xf32>
    %swap3A_188 = arith.constant 0 : index
    %swap3A_189 = arith.constant 6 : index
    %swap3A_190 = vector.load %arg3[%swap3A_188, %swap3A_189] : memref<64x16xf32, #tpu.memory_space<vmem>>, vector<64x1xf32>
    tpu.vector_store %arg3[%swap3A_188, %swap3A_189], %sub3A_187 {strides = array<i32>} : memref<64x16xf32, #tpu.memory_space<vmem>>, vector<64x1xf32>,
    %sub3A_191 = arith.subf %broadcast_in_dim3A_178, %slice3A_8 : vector<64x1xf32>
    %swap3A_192 = arith.constant 0 : index
    %swap3A_193 = arith.constant 7 : index
    %swap3A_194 = vector.load %arg3[%swap3A_192, %swap3A_193] : memref<64x16xf32, #tpu.memory_space<vmem>>, vector<64x1xf32>
    tpu.vector_store %arg3[%swap3A_192, %swap3A_193], %sub3A_191 {strides = array<i32>} : memref<64x16xf32, #tpu.memory_space<vmem>>, vector<64x1xf32>,
    %sub3A_195 = arith.subf %broadcast_in_dim3A_186, %slice3A_9 : vector<64x1xf32>
    %swap3A_196 = arith.constant 0 : index
    %swap3A_197 = arith.constant 8 : index
    %swap3A_198 = vector.load %arg3[%swap3A_196, %swap3A_197] : memref<64x16xf32, #tpu.memory_space<vmem>>, vector<64x1xf32>
    tpu.vector_store %arg3[%swap3A_196, %swap3A_197], %sub3A_195 {strides = array<i32>} : memref<64x16xf32, #tpu.memory_space<vmem>>, vector<64x1xf32>,
    return
  }
  func.func @transform_0(%arg0: i32) -> (i32, i32) {
    %c0_i32 = arith.constant 0 : i32
    %c0_i32_0 = arith.constant 0 : i32
    %c0_i32_1 = arith.constant 0 : i32
    return %c0_i32, %c0_i32_0 : i32, i32
  }
  func.func @transform_1(%arg0: i32) -> (i32, i32) {
    %c0_i32 = arith.constant 0 : i32
    %c0_i32_0 = arith.constant 0 : i32
    return %arg0, %c0_i32 : i32, i32
  }
  func.func @transform_2(%arg0: i32) -> (i32, i32) {
    %c0_i32 = arith.constant 0 : i32
    %c0_i32_0 = arith.constant 0 : i32
    return %arg0, %c0_i32 : i32, i32
  }
}

module attributes {stable_mosaic.version = 14 : i64} {
  func.func @_emb_body(%arg0: i32, %arg1: i32, %arg2: memref<3x128xf32, #tpu.memory_space<vmem>>, %arg3: memref<64x3xf32, #tpu.memory_space<vmem>>, %arg4: memref<64x16xf32, #tpu.memory_space<vmem>>, %arg5: memref<1x32xf32, #tpu.memory_space<vmem>>, %arg6: memref<32x64xbf16, #tpu.memory_space<vmem>>, %arg7: memref<32x64xbf16, #tpu.memory_space<vmem>>, %arg8: memref<32x64xbf16, #tpu.memory_space<vmem>>, %arg9: memref<32x64xbf16, #tpu.memory_space<vmem>>, %arg10: memref<1x64xf32, #tpu.memory_space<vmem>>, %arg11: memref<64x128x64xf32, #tpu.memory_space<vmem>>) attributes {dimension_semantics = [#tpu.dimension_semantics<arbitrary>, #tpu.dimension_semantics<arbitrary>], iteration_bounds = array<i64: 16, 8>, scalar_prefetch = 0 : i64, scratch_operands = 0 : i64, tpu.core_type = #tpu.core_type<tc>, window_params = [{transform_indices = @transform_0, window_bounds = array<i64: 3, 128>}, {transform_indices = @transform_1, window_bounds = array<i64: 64, 3>}, {transform_indices = @transform_2, window_bounds = array<i64: 64, 16>}, {pipeline_mode = #tpu.pipeline_mode<synchronous>, transform_indices = @transform_3, window_bounds = array<i64: 1, 32>}, {pipeline_mode = #tpu.pipeline_mode<synchronous>, transform_indices = @transform_4, window_bounds = array<i64: 32, 64>}, {pipeline_mode = #tpu.pipeline_mode<synchronous>, transform_indices = @transform_5, window_bounds = array<i64: 32, 64>}, {pipeline_mode = #tpu.pipeline_mode<synchronous>, transform_indices = @transform_6, window_bounds = array<i64: 32, 64>}, {pipeline_mode = #tpu.pipeline_mode<synchronous>, transform_indices = @transform_7, window_bounds = array<i64: 32, 64>}, {pipeline_mode = #tpu.pipeline_mode<synchronous>, transform_indices = @transform_8, window_bounds = array<i64: 1, 64>}, {transform_indices = @transform_9, window_bounds = array<i64: 64, 128, 64>}]} {
    %get3A = arith.constant 0 : index
    %get3A_0 = arith.constant 0 : index
    %get3A_1 = vector.load %arg2[%get3A, %get3A_0] : memref<3x128xf32, #tpu.memory_space<vmem>>, vector<3x128xf32>
    %get3A_2 = arith.constant 0 : index
    %get3A_3 = arith.constant 0 : index
    %get3A_4 = vector.load %arg3[%get3A_2, %get3A_3] : memref<64x3xf32, #tpu.memory_space<vmem>>, vector<64x3xf32>
    %slice3A = vector.extract_strided_slice %get3A_1 {offsets = [0, 0], sizes = [1, 128], strides = [1, 1]} : vector<3x128xf32> to vector<1x128xf32>
    %slice3A_5 = vector.extract_strided_slice %get3A_1 {offsets = [1, 0], sizes = [1, 128], strides = [1, 1]} : vector<3x128xf32> to vector<1x128xf32>
    %slice3A_6 = vector.extract_strided_slice %get3A_1 {offsets = [2, 0], sizes = [1, 128], strides = [1, 1]} : vector<3x128xf32> to vector<1x128xf32>
    %slice3A_7 = vector.extract_strided_slice %get3A_4 {offsets = [0, 0], sizes = [64, 1], strides = [1, 1]} : vector<64x3xf32> to vector<64x1xf32>
    %slice3A_8 = vector.extract_strided_slice %get3A_4 {offsets = [0, 1], sizes = [64, 1], strides = [1, 1]} : vector<64x3xf32> to vector<64x1xf32>
    %slice3A_9 = vector.extract_strided_slice %get3A_4 {offsets = [0, 2], sizes = [64, 1], strides = [1, 1]} : vector<64x3xf32> to vector<64x1xf32>
    %slice3A_10 = vector.extract_strided_slice %get3A_1 {offsets = [0, 0], sizes = [1, 128], strides = [1, 1]} : vector<3x128xf32> to vector<1x128xf32>
    %slice3A_11 = vector.extract_strided_slice %get3A_1 {offsets = [1, 0], sizes = [1, 128], strides = [1, 1]} : vector<3x128xf32> to vector<1x128xf32>
    %slice3A_12 = vector.extract_strided_slice %get3A_1 {offsets = [2, 0], sizes = [1, 128], strides = [1, 1]} : vector<3x128xf32> to vector<1x128xf32>
    %slice3A_13 = vector.extract_strided_slice %get3A_4 {offsets = [0, 0], sizes = [64, 1], strides = [1, 1]} : vector<64x3xf32> to vector<64x1xf32>
    %slice3A_14 = vector.extract_strided_slice %get3A_4 {offsets = [0, 1], sizes = [64, 1], strides = [1, 1]} : vector<64x3xf32> to vector<64x1xf32>
    %slice3A_15 = vector.extract_strided_slice %get3A_4 {offsets = [0, 2], sizes = [64, 1], strides = [1, 1]} : vector<64x3xf32> to vector<64x1xf32>
    %dot_general3A = arith.constant dense<0.000000e+00> : vector<64x128xf32>
    %dot_general3A_16 = tpu.matmul %get3A_4, %get3A_1, %dot_general3A {dimension_numbers = #tpu.dot_dimension_numbers<[1], [0], [0], [1], [0, 0, 1, 1], [], []>, transpose_lhs_hint = false} : vector<64x3xf32>, vector<3x128xf32>, vector<64x128xf32> -> vector<64x128xf32>
    %mul3A = arith.mulf %slice3A_10, %slice3A_10 : vector<1x128xf32>
    %mul3A_17 = arith.mulf %slice3A_11, %slice3A_11 : vector<1x128xf32>
    %add3A = arith.addf %mul3A, %mul3A_17 : vector<1x128xf32>
    %mul3A_18 = arith.mulf %slice3A_12, %slice3A_12 : vector<1x128xf32>
    %add3A_19 = arith.addf %add3A, %mul3A_18 : vector<1x128xf32>
    %mul3A_20 = arith.mulf %slice3A_13, %slice3A_13 : vector<64x1xf32>
    %mul3A_21 = arith.mulf %slice3A_14, %slice3A_14 : vector<64x1xf32>
    %add3A_22 = arith.addf %mul3A_20, %mul3A_21 : vector<64x1xf32>
    %mul3A_23 = arith.mulf %slice3A_15, %slice3A_15 : vector<64x1xf32>
    %add3A_24 = arith.addf %add3A_22, %mul3A_23 : vector<64x1xf32>
    %mul3A_25 = arith.constant 2.000000e+00 : f32
    %mul3A_26 = vector.broadcast %mul3A_25 : f32 to vector<64x128xf32>
    %mul3A_27 = arith.mulf %mul3A_26, %dot_general3A_16 : vector<64x128xf32>
    %sub3A = vector.broadcast %add3A_24 : vector<64x1xf32> to vector<64x128xf32>
    %sub3A_28 = arith.subf %sub3A, %mul3A_27 : vector<64x128xf32>
    %add3A_29 = vector.broadcast %add3A_19 : vector<1x128xf32> to vector<64x128xf32>
    %add3A_30 = arith.addf %sub3A_28, %add3A_29 : vector<64x128xf32>
    %max3A = arith.constant 0.000000e+00 : f32
    %max3A_31 = vector.broadcast %max3A : f32 to vector<64x128xf32>
    %max3A_32 = arith.maximumf %add3A_30, %max3A_31 : vector<64x128xf32>
    %sqrt3A = math.sqrt %max3A_32 : vector<64x128xf32>
    %sub3A_33 = vector.broadcast %slice3A : vector<1x128xf32> to vector<64x128xf32>
    %sub3A_34 = vector.broadcast %slice3A_7 : vector<64x1xf32> to vector<64x128xf32>
    %sub3A_35 = arith.subf %sub3A_33, %sub3A_34 : vector<64x128xf32>
    %sub3A_36 = vector.broadcast %slice3A_5 : vector<1x128xf32> to vector<64x128xf32>
    %sub3A_37 = vector.broadcast %slice3A_8 : vector<64x1xf32> to vector<64x128xf32>
    %sub3A_38 = arith.subf %sub3A_36, %sub3A_37 : vector<64x128xf32>
    %sub3A_39 = vector.broadcast %slice3A_6 : vector<1x128xf32> to vector<64x128xf32>
    %sub3A_40 = vector.broadcast %slice3A_9 : vector<64x1xf32> to vector<64x128xf32>
    %sub3A_41 = arith.subf %sub3A_39, %sub3A_40 : vector<64x128xf32>
    %get3A_42 = arith.constant 0 : index
    %get3A_43 = arith.constant 0 : index
    %get3A_44 = vector.load %arg5[%get3A_42, %get3A_43] : memref<1x32xf32, #tpu.memory_space<vmem>>, vector<1x32xf32>
    %reshape3A = vector.shape_cast %get3A_44 : vector<1x32xf32> to vector<1x1x32xf32>
    %get3A_45 = arith.constant 0 : index
    %get3A_46 = arith.constant 0 : index
    %get3A_47 = vector.load %arg4[%get3A_45, %get3A_46] : memref<64x16xf32, #tpu.memory_space<vmem>>, vector<64x1xf32>
    %get3A_48 = arith.constant 0 : index
    %get3A_49 = arith.constant 1 : index
    %get3A_50 = vector.load %arg4[%get3A_48, %get3A_49] : memref<64x16xf32, #tpu.memory_space<vmem>>, vector<64x1xf32>
    %get3A_51 = arith.constant 0 : index
    %get3A_52 = arith.constant 2 : index
    %get3A_53 = vector.load %arg4[%get3A_51, %get3A_52] : memref<64x16xf32, #tpu.memory_space<vmem>>, vector<64x1xf32>
    %mul3A_54 = vector.broadcast %get3A_50 : vector<64x1xf32> to vector<64x128xf32>
    %mul3A_55 = arith.mulf %mul3A_54, %sub3A_41 : vector<64x128xf32>
    %mul3A_56 = vector.broadcast %get3A_53 : vector<64x1xf32> to vector<64x128xf32>
    %mul3A_57 = arith.mulf %mul3A_56, %sub3A_38 : vector<64x128xf32>
    %sub3A_58 = arith.subf %mul3A_55, %mul3A_57 : vector<64x128xf32>
    %mul3A_59 = vector.broadcast %get3A_53 : vector<64x1xf32> to vector<64x128xf32>
    %mul3A_60 = arith.mulf %mul3A_59, %sub3A_35 : vector<64x128xf32>
    %mul3A_61 = vector.broadcast %get3A_47 : vector<64x1xf32> to vector<64x128xf32>
    %mul3A_62 = arith.mulf %mul3A_61, %sub3A_41 : vector<64x128xf32>
    %sub3A_63 = arith.subf %mul3A_60, %mul3A_62 : vector<64x128xf32>
    %mul3A_64 = vector.broadcast %get3A_47 : vector<64x1xf32> to vector<64x128xf32>
    %mul3A_65 = arith.mulf %mul3A_64, %sub3A_38 : vector<64x128xf32>
    %mul3A_66 = vector.broadcast %get3A_50 : vector<64x1xf32> to vector<64x128xf32>
    %mul3A_67 = arith.mulf %mul3A_66, %sub3A_35 : vector<64x128xf32>
    %sub3A_68 = arith.subf %mul3A_65, %mul3A_67 : vector<64x128xf32>
    %mul3A_69 = arith.mulf %sub3A_58, %sub3A_58 : vector<64x128xf32>
    %mul3A_70 = arith.mulf %sub3A_63, %sub3A_63 : vector<64x128xf32>
    %add3A_71 = arith.addf %mul3A_69, %mul3A_70 : vector<64x128xf32>
    %mul3A_72 = arith.mulf %sub3A_68, %sub3A_68 : vector<64x128xf32>
    %add3A_73 = arith.addf %add3A_71, %mul3A_72 : vector<64x128xf32>
    %sqrt3A_74 = math.sqrt %add3A_73 : vector<64x128xf32>
    %mul3A_75 = vector.broadcast %get3A_47 : vector<64x1xf32> to vector<64x128xf32>
    %mul3A_76 = arith.mulf %mul3A_75, %sub3A_35 : vector<64x128xf32>
    %mul3A_77 = vector.broadcast %get3A_50 : vector<64x1xf32> to vector<64x128xf32>
    %mul3A_78 = arith.mulf %mul3A_77, %sub3A_38 : vector<64x128xf32>
    %add3A_79 = arith.addf %mul3A_76, %mul3A_78 : vector<64x128xf32>
    %mul3A_80 = vector.broadcast %get3A_53 : vector<64x1xf32> to vector<64x128xf32>
    %mul3A_81 = arith.mulf %mul3A_80, %sub3A_41 : vector<64x128xf32>
    %add3A_82 = arith.addf %add3A_79, %mul3A_81 : vector<64x128xf32>
    %eq3A = arith.constant 0.000000e+00 : f32
    %eq3A_83 = vector.broadcast %eq3A : f32 to vector<64x128xf32>
    %eq3A_84 = arith.cmpf oeq, %add3A_82, %eq3A_83 : vector<64x128xf32>
    %jit3A = arith.constant 0.000000e+00 : f32
    %broadcast_in_dim3A = vector.broadcast %jit3A : f32 to vector<64x128xf32>
    %select_n3A = arith.select %eq3A_84, %broadcast_in_dim3A, %add3A_82 : vector<64x128xi1>, vector<64x128xf32>
    %atan23A = math.atan2 %sqrt3A_74, %select_n3A : vector<64x128xf32>
    %mul3A_85 = arith.constant 3.8197186 : f32
    %mul3A_86 = vector.broadcast %mul3A_85 : f32 to vector<64x128xf32>
    %mul3A_87 = arith.mulf %atan23A, %mul3A_86 : vector<64x128xf32>
    %get3A_88 = arith.constant 0 : index
    %get3A_89 = arith.constant 0 : index
    %get3A_90 = vector.load %arg8[%get3A_88, %get3A_89] : memref<32x64xbf16, #tpu.memory_space<vmem>>, vector<32x64xbf16>
    %get3A_91 = arith.constant 0 : index
    %get3A_92 = arith.constant 0 : index
    %get3A_93 = vector.load %arg9[%get3A_91, %get3A_92] : memref<32x64xbf16, #tpu.memory_space<vmem>>, vector<32x64xbf16>
    %broadcast_in_dim3A_94 = vector.shape_cast %mul3A_87 : vector<64x128xf32> to vector<64x128x1xf32>
    %mul3A_95 = vector.broadcast %broadcast_in_dim3A_94 : vector<64x128x1xf32> to vector<64x128x32xf32>
    %mul3A_96 = vector.broadcast %reshape3A : vector<1x1x32xf32> to vector<64x128x32xf32>
    %mul3A_97 = arith.mulf %mul3A_95, %mul3A_96 : vector<64x128x32xf32>
    %mul3A_98 = arith.constant 0.159154937 : f32
    %mul3A_99 = vector.broadcast %mul3A_98 : f32 to vector<64x128x32xf32>
    %mul3A_100 = arith.mulf %mul3A_97, %mul3A_99 : vector<64x128x32xf32>
    %add3A_101 = arith.constant 5.000000e-01 : f32
    %add3A_102 = vector.broadcast %add3A_101 : f32 to vector<64x128x32xf32>
    %add3A_103 = arith.addf %mul3A_100, %add3A_102 : vector<64x128x32xf32>
    %floor3A = math.floor %add3A_103 : vector<64x128x32xf32>
    %sub3A_104 = arith.subf %mul3A_100, %floor3A : vector<64x128x32xf32>
    %mul3A_105 = arith.mulf %sub3A_104, %sub3A_104 : vector<64x128x32xf32>
    %mul3A_106 = arith.constant 32.768528 : f32
    %mul3A_107 = vector.broadcast %mul3A_106 : f32 to vector<64x128x32xf32>
    %mul3A_108 = arith.mulf %mul3A_105, %mul3A_107 : vector<64x128x32xf32>
    %add3A_109 = arith.constant -74.470787 : f32
    %add3A_110 = vector.broadcast %add3A_109 : f32 to vector<64x128x32xf32>
    %add3A_111 = arith.addf %add3A_110, %mul3A_108 : vector<64x128x32xf32>
    %mul3A_112 = arith.mulf %mul3A_105, %add3A_111 : vector<64x128x32xf32>
    %add3A_113 = arith.constant 81.3654709 : f32
    %add3A_114 = vector.broadcast %add3A_113 : f32 to vector<64x128x32xf32>
    %add3A_115 = arith.addf %add3A_114, %mul3A_112 : vector<64x128x32xf32>
    %mul3A_116 = arith.mulf %mul3A_105, %add3A_115 : vector<64x128x32xf32>
    %add3A_117 = arith.constant -41.3311195 : f32
    %add3A_118 = vector.broadcast %add3A_117 : f32 to vector<64x128x32xf32>
    %add3A_119 = arith.addf %add3A_118, %mul3A_116 : vector<64x128x32xf32>
    %mul3A_120 = arith.mulf %mul3A_105, %add3A_119 : vector<64x128x32xf32>
    %add3A_121 = arith.constant 6.28305387 : f32
    %add3A_122 = vector.broadcast %add3A_121 : f32 to vector<64x128x32xf32>
    %add3A_123 = arith.addf %add3A_122, %mul3A_120 : vector<64x128x32xf32>
    %mul3A_124 = arith.mulf %sub3A_104, %add3A_123 : vector<64x128x32xf32>
    %mul3A_125 = arith.constant -21.0709057 : f32
    %mul3A_126 = vector.broadcast %mul3A_125 : f32 to vector<64x128x32xf32>
    %mul3A_127 = arith.mulf %mul3A_105, %mul3A_126 : vector<64x128x32xf32>
    %add3A_128 = arith.constant 58.7903786 : f32
    %add3A_129 = vector.broadcast %add3A_128 : f32 to vector<64x128x32xf32>
    %add3A_130 = arith.addf %add3A_129, %mul3A_127 : vector<64x128x32xf32>
    %mul3A_131 = arith.mulf %mul3A_105, %add3A_130 : vector<64x128x32xf32>
    %add3A_132 = arith.constant -8.527160e+01 : f32
    %add3A_133 = vector.broadcast %add3A_132 : f32 to vector<64x128x32xf32>
    %add3A_134 = arith.addf %add3A_133, %mul3A_131 : vector<64x128x32xf32>
    %mul3A_135 = arith.mulf %mul3A_105, %add3A_134 : vector<64x128x32xf32>
    %add3A_136 = arith.constant 64.9286575 : f32
    %add3A_137 = vector.broadcast %add3A_136 : f32 to vector<64x128x32xf32>
    %add3A_138 = arith.addf %add3A_137, %mul3A_135 : vector<64x128x32xf32>
    %mul3A_139 = arith.mulf %mul3A_105, %add3A_138 : vector<64x128x32xf32>
    %add3A_140 = arith.constant -19.7389812 : f32
    %add3A_141 = vector.broadcast %add3A_140 : f32 to vector<64x128x32xf32>
    %add3A_142 = arith.addf %add3A_141, %mul3A_139 : vector<64x128x32xf32>
    %mul3A_143 = arith.mulf %mul3A_105, %add3A_142 : vector<64x128x32xf32>
    %add3A_144 = arith.constant 0.999999225 : f32
    %add3A_145 = vector.broadcast %add3A_144 : f32 to vector<64x128x32xf32>
    %add3A_146 = arith.addf %add3A_145, %mul3A_143 : vector<64x128x32xf32>
    %convert_element_type3A = arith.truncf %mul3A_124 : vector<64x128x32xf32> to vector<64x128x32xbf16>
    %reshape3A_147 = vector.shape_cast %convert_element_type3A : vector<64x128x32xbf16> to vector<8192x32xbf16>
    %convert_element_type3A_148 = arith.truncf %add3A_146 : vector<64x128x32xf32> to vector<64x128x32xbf16>
    %reshape3A_149 = vector.shape_cast %convert_element_type3A_148 : vector<64x128x32xbf16> to vector<8192x32xbf16>
    %dot_general3A_150 = arith.constant dense<0.000000e+00> : vector<8192x64xf32>
    %dot_general3A_151 = tpu.matmul %reshape3A_147, %get3A_90, %dot_general3A_150 {dimension_numbers = #tpu.dot_dimension_numbers<[1], [0], [0], [1], [0, 0, 1, 1], [], []>, transpose_lhs_hint = false} : vector<8192x32xbf16>, vector<32x64xbf16>, vector<8192x64xf32> -> vector<8192x64xf32>
    %dot_general3A_152 = arith.constant dense<0.000000e+00> : vector<8192x64xf32>
    %dot_general3A_153 = tpu.matmul %reshape3A_149, %get3A_93, %dot_general3A_152 {dimension_numbers = #tpu.dot_dimension_numbers<[1], [0], [0], [1], [0, 0, 1, 1], [], []>, transpose_lhs_hint = false} : vector<8192x32xbf16>, vector<32x64xbf16>, vector<8192x64xf32> -> vector<8192x64xf32>
    %add3A_154 = arith.addf %dot_general3A_151, %dot_general3A_153 : vector<8192x64xf32>
    %reshape3A_155 = vector.shape_cast %add3A_154 : vector<8192x64xf32> to vector<64x128x64xf32>
    %swap3A = arith.constant 0 : index
    %swap3A_156 = arith.constant 0 : index
    %swap3A_157 = arith.constant 0 : index
    %swap3A_158 = vector.load %arg11[%swap3A, %swap3A_156, %swap3A_157] : memref<64x128x64xf32, #tpu.memory_space<vmem>>, vector<64x128x64xf32>
    tpu.vector_store %arg11[%swap3A, %swap3A_156, %swap3A_157], %reshape3A_155 {strides = array<i32>} : memref<64x128x64xf32, #tpu.memory_space<vmem>>, vector<64x128x64xf32>,
    %get3A_159 = arith.constant 0 : index
    %get3A_160 = arith.constant 3 : index
    %get3A_161 = vector.load %arg4[%get3A_159, %get3A_160] : memref<64x16xf32, #tpu.memory_space<vmem>>, vector<64x1xf32>
    %get3A_162 = arith.constant 0 : index
    %get3A_163 = arith.constant 4 : index
    %get3A_164 = vector.load %arg4[%get3A_162, %get3A_163] : memref<64x16xf32, #tpu.memory_space<vmem>>, vector<64x1xf32>
    %get3A_165 = arith.constant 0 : index
    %get3A_166 = arith.constant 5 : index
    %get3A_167 = vector.load %arg4[%get3A_165, %get3A_166] : memref<64x16xf32, #tpu.memory_space<vmem>>, vector<64x1xf32>
    %mul3A_168 = vector.broadcast %get3A_164 : vector<64x1xf32> to vector<64x128xf32>
    %mul3A_169 = arith.mulf %mul3A_168, %sub3A_41 : vector<64x128xf32>
    %mul3A_170 = vector.broadcast %get3A_167 : vector<64x1xf32> to vector<64x128xf32>
    %mul3A_171 = arith.mulf %mul3A_170, %sub3A_38 : vector<64x128xf32>
    %sub3A_172 = arith.subf %mul3A_169, %mul3A_171 : vector<64x128xf32>
    %mul3A_173 = vector.broadcast %get3A_167 : vector<64x1xf32> to vector<64x128xf32>
    %mul3A_174 = arith.mulf %mul3A_173, %sub3A_35 : vector<64x128xf32>
    %mul3A_175 = vector.broadcast %get3A_161 : vector<64x1xf32> to vector<64x128xf32>
    %mul3A_176 = arith.mulf %mul3A_175, %sub3A_41 : vector<64x128xf32>
    %sub3A_177 = arith.subf %mul3A_174, %mul3A_176 : vector<64x128xf32>
    %mul3A_178 = vector.broadcast %get3A_161 : vector<64x1xf32> to vector<64x128xf32>
    %mul3A_179 = arith.mulf %mul3A_178, %sub3A_38 : vector<64x128xf32>
    %mul3A_180 = vector.broadcast %get3A_164 : vector<64x1xf32> to vector<64x128xf32>
    %mul3A_181 = arith.mulf %mul3A_180, %sub3A_35 : vector<64x128xf32>
    %sub3A_182 = arith.subf %mul3A_179, %mul3A_181 : vector<64x128xf32>
    %mul3A_183 = arith.mulf %sub3A_172, %sub3A_172 : vector<64x128xf32>
    %mul3A_184 = arith.mulf %sub3A_177, %sub3A_177 : vector<64x128xf32>
    %add3A_185 = arith.addf %mul3A_183, %mul3A_184 : vector<64x128xf32>
    %mul3A_186 = arith.mulf %sub3A_182, %sub3A_182 : vector<64x128xf32>
    %add3A_187 = arith.addf %add3A_185, %mul3A_186 : vector<64x128xf32>
    %sqrt3A_188 = math.sqrt %add3A_187 : vector<64x128xf32>
    %mul3A_189 = vector.broadcast %get3A_161 : vector<64x1xf32> to vector<64x128xf32>
    %mul3A_190 = arith.mulf %mul3A_189, %sub3A_35 : vector<64x128xf32>
    %mul3A_191 = vector.broadcast %get3A_164 : vector<64x1xf32> to vector<64x128xf32>
    %mul3A_192 = arith.mulf %mul3A_191, %sub3A_38 : vector<64x128xf32>
    %add3A_193 = arith.addf %mul3A_190, %mul3A_192 : vector<64x128xf32>
    %mul3A_194 = vector.broadcast %get3A_167 : vector<64x1xf32> to vector<64x128xf32>
    %mul3A_195 = arith.mulf %mul3A_194, %sub3A_41 : vector<64x128xf32>
    %add3A_196 = arith.addf %add3A_193, %mul3A_195 : vector<64x128xf32>
    %eq3A_197 = arith.constant 0.000000e+00 : f32
    %eq3A_198 = vector.broadcast %eq3A_197 : f32 to vector<64x128xf32>
    %eq3A_199 = arith.cmpf oeq, %add3A_196, %eq3A_198 : vector<64x128xf32>
    %jit3A_200 = arith.constant 0.000000e+00 : f32
    %broadcast_in_dim3A_201 = vector.broadcast %jit3A_200 : f32 to vector<64x128xf32>
    %select_n3A_202 = arith.select %eq3A_199, %broadcast_in_dim3A_201, %add3A_196 : vector<64x128xi1>, vector<64x128xf32>
    %atan23A_203 = math.atan2 %sqrt3A_188, %select_n3A_202 : vector<64x128xf32>
    %mul3A_204 = arith.constant 3.8197186 : f32
    %mul3A_205 = vector.broadcast %mul3A_204 : f32 to vector<64x128xf32>
    %mul3A_206 = arith.mulf %atan23A_203, %mul3A_205 : vector<64x128xf32>
    %get3A_207 = arith.constant 0 : index
    %get3A_208 = arith.constant 0 : index
    %get3A_209 = vector.load %arg8[%get3A_207, %get3A_208] : memref<32x64xbf16, #tpu.memory_space<vmem>>, vector<32x64xbf16>
    %get3A_210 = arith.constant 0 : index
    %get3A_211 = arith.constant 0 : index
    %get3A_212 = vector.load %arg9[%get3A_210, %get3A_211] : memref<32x64xbf16, #tpu.memory_space<vmem>>, vector<32x64xbf16>
    %broadcast_in_dim3A_213 = vector.shape_cast %mul3A_206 : vector<64x128xf32> to vector<64x128x1xf32>
    %mul3A_214 = vector.broadcast %broadcast_in_dim3A_213 : vector<64x128x1xf32> to vector<64x128x32xf32>
    %mul3A_215 = vector.broadcast %reshape3A : vector<1x1x32xf32> to vector<64x128x32xf32>
    %mul3A_216 = arith.mulf %mul3A_214, %mul3A_215 : vector<64x128x32xf32>
    %mul3A_217 = arith.constant 0.159154937 : f32
    %mul3A_218 = vector.broadcast %mul3A_217 : f32 to vector<64x128x32xf32>
    %mul3A_219 = arith.mulf %mul3A_216, %mul3A_218 : vector<64x128x32xf32>
    %add3A_220 = arith.constant 5.000000e-01 : f32
    %add3A_221 = vector.broadcast %add3A_220 : f32 to vector<64x128x32xf32>
    %add3A_222 = arith.addf %mul3A_219, %add3A_221 : vector<64x128x32xf32>
    %floor3A_223 = math.floor %add3A_222 : vector<64x128x32xf32>
    %sub3A_224 = arith.subf %mul3A_219, %floor3A_223 : vector<64x128x32xf32>
    %mul3A_225 = arith.mulf %sub3A_224, %sub3A_224 : vector<64x128x32xf32>
    %mul3A_226 = arith.constant 32.768528 : f32
    %mul3A_227 = vector.broadcast %mul3A_226 : f32 to vector<64x128x32xf32>
    %mul3A_228 = arith.mulf %mul3A_225, %mul3A_227 : vector<64x128x32xf32>
    %add3A_229 = arith.constant -74.470787 : f32
    %add3A_230 = vector.broadcast %add3A_229 : f32 to vector<64x128x32xf32>
    %add3A_231 = arith.addf %add3A_230, %mul3A_228 : vector<64x128x32xf32>
    %mul3A_232 = arith.mulf %mul3A_225, %add3A_231 : vector<64x128x32xf32>
    %add3A_233 = arith.constant 81.3654709 : f32
    %add3A_234 = vector.broadcast %add3A_233 : f32 to vector<64x128x32xf32>
    %add3A_235 = arith.addf %add3A_234, %mul3A_232 : vector<64x128x32xf32>
    %mul3A_236 = arith.mulf %mul3A_225, %add3A_235 : vector<64x128x32xf32>
    %add3A_237 = arith.constant -41.3311195 : f32
    %add3A_238 = vector.broadcast %add3A_237 : f32 to vector<64x128x32xf32>
    %add3A_239 = arith.addf %add3A_238, %mul3A_236 : vector<64x128x32xf32>
    %mul3A_240 = arith.mulf %mul3A_225, %add3A_239 : vector<64x128x32xf32>
    %add3A_241 = arith.constant 6.28305387 : f32
    %add3A_242 = vector.broadcast %add3A_241 : f32 to vector<64x128x32xf32>
    %add3A_243 = arith.addf %add3A_242, %mul3A_240 : vector<64x128x32xf32>
    %mul3A_244 = arith.mulf %sub3A_224, %add3A_243 : vector<64x128x32xf32>
    %mul3A_245 = arith.constant -21.0709057 : f32
    %mul3A_246 = vector.broadcast %mul3A_245 : f32 to vector<64x128x32xf32>
    %mul3A_247 = arith.mulf %mul3A_225, %mul3A_246 : vector<64x128x32xf32>
    %add3A_248 = arith.constant 58.7903786 : f32
    %add3A_249 = vector.broadcast %add3A_248 : f32 to vector<64x128x32xf32>
    %add3A_250 = arith.addf %add3A_249, %mul3A_247 : vector<64x128x32xf32>
    %mul3A_251 = arith.mulf %mul3A_225, %add3A_250 : vector<64x128x32xf32>
    %add3A_252 = arith.constant -8.527160e+01 : f32
    %add3A_253 = vector.broadcast %add3A_252 : f32 to vector<64x128x32xf32>
    %add3A_254 = arith.addf %add3A_253, %mul3A_251 : vector<64x128x32xf32>
    %mul3A_255 = arith.mulf %mul3A_225, %add3A_254 : vector<64x128x32xf32>
    %add3A_256 = arith.constant 64.9286575 : f32
    %add3A_257 = vector.broadcast %add3A_256 : f32 to vector<64x128x32xf32>
    %add3A_258 = arith.addf %add3A_257, %mul3A_255 : vector<64x128x32xf32>
    %mul3A_259 = arith.mulf %mul3A_225, %add3A_258 : vector<64x128x32xf32>
    %add3A_260 = arith.constant -19.7389812 : f32
    %add3A_261 = vector.broadcast %add3A_260 : f32 to vector<64x128x32xf32>
    %add3A_262 = arith.addf %add3A_261, %mul3A_259 : vector<64x128x32xf32>
    %mul3A_263 = arith.mulf %mul3A_225, %add3A_262 : vector<64x128x32xf32>
    %add3A_264 = arith.constant 0.999999225 : f32
    %add3A_265 = vector.broadcast %add3A_264 : f32 to vector<64x128x32xf32>
    %add3A_266 = arith.addf %add3A_265, %mul3A_263 : vector<64x128x32xf32>
    %convert_element_type3A_267 = arith.truncf %mul3A_244 : vector<64x128x32xf32> to vector<64x128x32xbf16>
    %reshape3A_268 = vector.shape_cast %convert_element_type3A_267 : vector<64x128x32xbf16> to vector<8192x32xbf16>
    %convert_element_type3A_269 = arith.truncf %add3A_266 : vector<64x128x32xf32> to vector<64x128x32xbf16>
    %reshape3A_270 = vector.shape_cast %convert_element_type3A_269 : vector<64x128x32xbf16> to vector<8192x32xbf16>
    %dot_general3A_271 = arith.constant dense<0.000000e+00> : vector<8192x64xf32>
    %dot_general3A_272 = tpu.matmul %reshape3A_268, %get3A_209, %dot_general3A_271 {dimension_numbers = #tpu.dot_dimension_numbers<[1], [0], [0], [1], [0, 0, 1, 1], [], []>, transpose_lhs_hint = false} : vector<8192x32xbf16>, vector<32x64xbf16>, vector<8192x64xf32> -> vector<8192x64xf32>
    %dot_general3A_273 = arith.constant dense<0.000000e+00> : vector<8192x64xf32>
    %dot_general3A_274 = tpu.matmul %reshape3A_270, %get3A_212, %dot_general3A_273 {dimension_numbers = #tpu.dot_dimension_numbers<[1], [0], [0], [1], [0, 0, 1, 1], [], []>, transpose_lhs_hint = false} : vector<8192x32xbf16>, vector<32x64xbf16>, vector<8192x64xf32> -> vector<8192x64xf32>
    %add3A_275 = arith.addf %dot_general3A_272, %dot_general3A_274 : vector<8192x64xf32>
    %reshape3A_276 = vector.shape_cast %add3A_275 : vector<8192x64xf32> to vector<64x128x64xf32>
    %get3A_277 = arith.constant 0 : index
    %get3A_278 = arith.constant 0 : index
    %get3A_279 = arith.constant 0 : index
    %get3A_280 = vector.load %arg11[%get3A_277, %get3A_278, %get3A_279] : memref<64x128x64xf32, #tpu.memory_space<vmem>>, vector<64x128x64xf32>
    %max3A_281 = arith.maximumf %get3A_280, %reshape3A_276 : vector<64x128x64xf32>
    %swap3A_282 = arith.constant 0 : index
    %swap3A_283 = arith.constant 0 : index
    %swap3A_284 = arith.constant 0 : index
    %swap3A_285 = vector.load %arg11[%swap3A_282, %swap3A_283, %swap3A_284] : memref<64x128x64xf32, #tpu.memory_space<vmem>>, vector<64x128x64xf32>
    tpu.vector_store %arg11[%swap3A_282, %swap3A_283, %swap3A_284], %max3A_281 {strides = array<i32>} : memref<64x128x64xf32, #tpu.memory_space<vmem>>, vector<64x128x64xf32>,
    %get3A_286 = arith.constant 0 : index
    %get3A_287 = arith.constant 6 : index
    %get3A_288 = vector.load %arg4[%get3A_286, %get3A_287] : memref<64x16xf32, #tpu.memory_space<vmem>>, vector<64x1xf32>
    %get3A_289 = arith.constant 0 : index
    %get3A_290 = arith.constant 7 : index
    %get3A_291 = vector.load %arg4[%get3A_289, %get3A_290] : memref<64x16xf32, #tpu.memory_space<vmem>>, vector<64x1xf32>
    %get3A_292 = arith.constant 0 : index
    %get3A_293 = arith.constant 8 : index
    %get3A_294 = vector.load %arg4[%get3A_292, %get3A_293] : memref<64x16xf32, #tpu.memory_space<vmem>>, vector<64x1xf32>
    %mul3A_295 = vector.broadcast %get3A_291 : vector<64x1xf32> to vector<64x128xf32>
    %mul3A_296 = arith.mulf %mul3A_295, %sub3A_41 : vector<64x128xf32>
    %mul3A_297 = vector.broadcast %get3A_294 : vector<64x1xf32> to vector<64x128xf32>
    %mul3A_298 = arith.mulf %mul3A_297, %sub3A_38 : vector<64x128xf32>
    %sub3A_299 = arith.subf %mul3A_296, %mul3A_298 : vector<64x128xf32>
    %mul3A_300 = vector.broadcast %get3A_294 : vector<64x1xf32> to vector<64x128xf32>
    %mul3A_301 = arith.mulf %mul3A_300, %sub3A_35 : vector<64x128xf32>
    %mul3A_302 = vector.broadcast %get3A_288 : vector<64x1xf32> to vector<64x128xf32>
    %mul3A_303 = arith.mulf %mul3A_302, %sub3A_41 : vector<64x128xf32>
    %sub3A_304 = arith.subf %mul3A_301, %mul3A_303 : vector<64x128xf32>
    %mul3A_305 = vector.broadcast %get3A_288 : vector<64x1xf32> to vector<64x128xf32>
    %mul3A_306 = arith.mulf %mul3A_305, %sub3A_38 : vector<64x128xf32>
    %mul3A_307 = vector.broadcast %get3A_291 : vector<64x1xf32> to vector<64x128xf32>
    %mul3A_308 = arith.mulf %mul3A_307, %sub3A_35 : vector<64x128xf32>
    %sub3A_309 = arith.subf %mul3A_306, %mul3A_308 : vector<64x128xf32>
    %mul3A_310 = arith.mulf %sub3A_299, %sub3A_299 : vector<64x128xf32>
    %mul3A_311 = arith.mulf %sub3A_304, %sub3A_304 : vector<64x128xf32>
    %add3A_312 = arith.addf %mul3A_310, %mul3A_311 : vector<64x128xf32>
    %mul3A_313 = arith.mulf %sub3A_309, %sub3A_309 : vector<64x128xf32>
    %add3A_314 = arith.addf %add3A_312, %mul3A_313 : vector<64x128xf32>
    %sqrt3A_315 = math.sqrt %add3A_314 : vector<64x128xf32>
    %mul3A_316 = vector.broadcast %get3A_288 : vector<64x1xf32> to vector<64x128xf32>
    %mul3A_317 = arith.mulf %mul3A_316, %sub3A_35 : vector<64x128xf32>
    %mul3A_318 = vector.broadcast %get3A_291 : vector<64x1xf32> to vector<64x128xf32>
    %mul3A_319 = arith.mulf %mul3A_318, %sub3A_38 : vector<64x128xf32>
    %add3A_320 = arith.addf %mul3A_317, %mul3A_319 : vector<64x128xf32>
    %mul3A_321 = vector.broadcast %get3A_294 : vector<64x1xf32> to vector<64x128xf32>
    %mul3A_322 = arith.mulf %mul3A_321, %sub3A_41 : vector<64x128xf32>
    %add3A_323 = arith.addf %add3A_320, %mul3A_322 : vector<64x128xf32>
    %eq3A_324 = arith.constant 0.000000e+00 : f32
    %eq3A_325 = vector.broadcast %eq3A_324 : f32 to vector<64x128xf32>
    %eq3A_326 = arith.cmpf oeq, %add3A_323, %eq3A_325 : vector<64x128xf32>
    %jit3A_327 = arith.constant 0.000000e+00 : f32
    %broadcast_in_dim3A_328 = vector.broadcast %jit3A_327 : f32 to vector<64x128xf32>
    %select_n3A_329 = arith.select %eq3A_326, %broadcast_in_dim3A_328, %add3A_323 : vector<64x128xi1>, vector<64x128xf32>
    %atan23A_330 = math.atan2 %sqrt3A_315, %select_n3A_329 : vector<64x128xf32>
    %mul3A_331 = arith.constant 3.8197186 : f32
    %mul3A_332 = vector.broadcast %mul3A_331 : f32 to vector<64x128xf32>
    %mul3A_333 = arith.mulf %atan23A_330, %mul3A_332 : vector<64x128xf32>
    %get3A_334 = arith.constant 0 : index
    %get3A_335 = arith.constant 0 : index
    %get3A_336 = vector.load %arg8[%get3A_334, %get3A_335] : memref<32x64xbf16, #tpu.memory_space<vmem>>, vector<32x64xbf16>
    %get3A_337 = arith.constant 0 : index
    %get3A_338 = arith.constant 0 : index
    %get3A_339 = vector.load %arg9[%get3A_337, %get3A_338] : memref<32x64xbf16, #tpu.memory_space<vmem>>, vector<32x64xbf16>
    %broadcast_in_dim3A_340 = vector.shape_cast %mul3A_333 : vector<64x128xf32> to vector<64x128x1xf32>
    %mul3A_341 = vector.broadcast %broadcast_in_dim3A_340 : vector<64x128x1xf32> to vector<64x128x32xf32>
    %mul3A_342 = vector.broadcast %reshape3A : vector<1x1x32xf32> to vector<64x128x32xf32>
    %mul3A_343 = arith.mulf %mul3A_341, %mul3A_342 : vector<64x128x32xf32>
    %mul3A_344 = arith.constant 0.159154937 : f32
    %mul3A_345 = vector.broadcast %mul3A_344 : f32 to vector<64x128x32xf32>
    %mul3A_346 = arith.mulf %mul3A_343, %mul3A_345 : vector<64x128x32xf32>
    %add3A_347 = arith.constant 5.000000e-01 : f32
    %add3A_348 = vector.broadcast %add3A_347 : f32 to vector<64x128x32xf32>
    %add3A_349 = arith.addf %mul3A_346, %add3A_348 : vector<64x128x32xf32>
    %floor3A_350 = math.floor %add3A_349 : vector<64x128x32xf32>
    %sub3A_351 = arith.subf %mul3A_346, %floor3A_350 : vector<64x128x32xf32>
    %mul3A_352 = arith.mulf %sub3A_351, %sub3A_351 : vector<64x128x32xf32>
    %mul3A_353 = arith.constant 32.768528 : f32
    %mul3A_354 = vector.broadcast %mul3A_353 : f32 to vector<64x128x32xf32>
    %mul3A_355 = arith.mulf %mul3A_352, %mul3A_354 : vector<64x128x32xf32>
    %add3A_356 = arith.constant -74.470787 : f32
    %add3A_357 = vector.broadcast %add3A_356 : f32 to vector<64x128x32xf32>
    %add3A_358 = arith.addf %add3A_357, %mul3A_355 : vector<64x128x32xf32>
    %mul3A_359 = arith.mulf %mul3A_352, %add3A_358 : vector<64x128x32xf32>
    %add3A_360 = arith.constant 81.3654709 : f32
    %add3A_361 = vector.broadcast %add3A_360 : f32 to vector<64x128x32xf32>
    %add3A_362 = arith.addf %add3A_361, %mul3A_359 : vector<64x128x32xf32>
    %mul3A_363 = arith.mulf %mul3A_352, %add3A_362 : vector<64x128x32xf32>
    %add3A_364 = arith.constant -41.3311195 : f32
    %add3A_365 = vector.broadcast %add3A_364 : f32 to vector<64x128x32xf32>
    %add3A_366 = arith.addf %add3A_365, %mul3A_363 : vector<64x128x32xf32>
    %mul3A_367 = arith.mulf %mul3A_352, %add3A_366 : vector<64x128x32xf32>
    %add3A_368 = arith.constant 6.28305387 : f32
    %add3A_369 = vector.broadcast %add3A_368 : f32 to vector<64x128x32xf32>
    %add3A_370 = arith.addf %add3A_369, %mul3A_367 : vector<64x128x32xf32>
    %mul3A_371 = arith.mulf %sub3A_351, %add3A_370 : vector<64x128x32xf32>
    %mul3A_372 = arith.constant -21.0709057 : f32
    %mul3A_373 = vector.broadcast %mul3A_372 : f32 to vector<64x128x32xf32>
    %mul3A_374 = arith.mulf %mul3A_352, %mul3A_373 : vector<64x128x32xf32>
    %add3A_375 = arith.constant 58.7903786 : f32
    %add3A_376 = vector.broadcast %add3A_375 : f32 to vector<64x128x32xf32>
    %add3A_377 = arith.addf %add3A_376, %mul3A_374 : vector<64x128x32xf32>
    %mul3A_378 = arith.mulf %mul3A_352, %add3A_377 : vector<64x128x32xf32>
    %add3A_379 = arith.constant -8.527160e+01 : f32
    %add3A_380 = vector.broadcast %add3A_379 : f32 to vector<64x128x32xf32>
    %add3A_381 = arith.addf %add3A_380, %mul3A_378 : vector<64x128x32xf32>
    %mul3A_382 = arith.mulf %mul3A_352, %add3A_381 : vector<64x128x32xf32>
    %add3A_383 = arith.constant 64.9286575 : f32
    %add3A_384 = vector.broadcast %add3A_383 : f32 to vector<64x128x32xf32>
    %add3A_385 = arith.addf %add3A_384, %mul3A_382 : vector<64x128x32xf32>
    %mul3A_386 = arith.mulf %mul3A_352, %add3A_385 : vector<64x128x32xf32>
    %add3A_387 = arith.constant -19.7389812 : f32
    %add3A_388 = vector.broadcast %add3A_387 : f32 to vector<64x128x32xf32>
    %add3A_389 = arith.addf %add3A_388, %mul3A_386 : vector<64x128x32xf32>
    %mul3A_390 = arith.mulf %mul3A_352, %add3A_389 : vector<64x128x32xf32>
    %add3A_391 = arith.constant 0.999999225 : f32
    %add3A_392 = vector.broadcast %add3A_391 : f32 to vector<64x128x32xf32>
    %add3A_393 = arith.addf %add3A_392, %mul3A_390 : vector<64x128x32xf32>
    %convert_element_type3A_394 = arith.truncf %mul3A_371 : vector<64x128x32xf32> to vector<64x128x32xbf16>
    %reshape3A_395 = vector.shape_cast %convert_element_type3A_394 : vector<64x128x32xbf16> to vector<8192x32xbf16>
    %convert_element_type3A_396 = arith.truncf %add3A_393 : vector<64x128x32xf32> to vector<64x128x32xbf16>
    %reshape3A_397 = vector.shape_cast %convert_element_type3A_396 : vector<64x128x32xbf16> to vector<8192x32xbf16>
    %dot_general3A_398 = arith.constant dense<0.000000e+00> : vector<8192x64xf32>
    %dot_general3A_399 = tpu.matmul %reshape3A_395, %get3A_336, %dot_general3A_398 {dimension_numbers = #tpu.dot_dimension_numbers<[1], [0], [0], [1], [0, 0, 1, 1], [], []>, transpose_lhs_hint = false} : vector<8192x32xbf16>, vector<32x64xbf16>, vector<8192x64xf32> -> vector<8192x64xf32>
    %dot_general3A_400 = arith.constant dense<0.000000e+00> : vector<8192x64xf32>
    %dot_general3A_401 = tpu.matmul %reshape3A_397, %get3A_339, %dot_general3A_400 {dimension_numbers = #tpu.dot_dimension_numbers<[1], [0], [0], [1], [0, 0, 1, 1], [], []>, transpose_lhs_hint = false} : vector<8192x32xbf16>, vector<32x64xbf16>, vector<8192x64xf32> -> vector<8192x64xf32>
    %add3A_402 = arith.addf %dot_general3A_399, %dot_general3A_401 : vector<8192x64xf32>
    %reshape3A_403 = vector.shape_cast %add3A_402 : vector<8192x64xf32> to vector<64x128x64xf32>
    %get3A_404 = arith.constant 0 : index
    %get3A_405 = arith.constant 0 : index
    %get3A_406 = arith.constant 0 : index
    %get3A_407 = vector.load %arg11[%get3A_404, %get3A_405, %get3A_406] : memref<64x128x64xf32, #tpu.memory_space<vmem>>, vector<64x128x64xf32>
    %max3A_408 = arith.maximumf %get3A_407, %reshape3A_403 : vector<64x128x64xf32>
    %swap3A_409 = arith.constant 0 : index
    %swap3A_410 = arith.constant 0 : index
    %swap3A_411 = arith.constant 0 : index
    %swap3A_412 = vector.load %arg11[%swap3A_409, %swap3A_410, %swap3A_411] : memref<64x128x64xf32, #tpu.memory_space<vmem>>, vector<64x128x64xf32>
    tpu.vector_store %arg11[%swap3A_409, %swap3A_410, %swap3A_411], %max3A_408 {strides = array<i32>} : memref<64x128x64xf32, #tpu.memory_space<vmem>>, vector<64x128x64xf32>,
    %div3A = arith.constant 2.000000e-01 : f32
    %div3A_413 = vector.broadcast %div3A : f32 to vector<64x128xf32>
    %div3A_414 = arith.divf %sqrt3A, %div3A_413 : vector<64x128xf32>
    %get3A_415 = arith.constant 0 : index
    %get3A_416 = arith.constant 0 : index
    %get3A_417 = vector.load %arg6[%get3A_415, %get3A_416] : memref<32x64xbf16, #tpu.memory_space<vmem>>, vector<32x64xbf16>
    %get3A_418 = arith.constant 0 : index
    %get3A_419 = arith.constant 0 : index
    %get3A_420 = vector.load %arg7[%get3A_418, %get3A_419] : memref<32x64xbf16, #tpu.memory_space<vmem>>, vector<32x64xbf16>
    %broadcast_in_dim3A_421 = vector.shape_cast %div3A_414 : vector<64x128xf32> to vector<64x128x1xf32>
    %mul3A_422 = vector.broadcast %broadcast_in_dim3A_421 : vector<64x128x1xf32> to vector<64x128x32xf32>
    %mul3A_423 = vector.broadcast %reshape3A : vector<1x1x32xf32> to vector<64x128x32xf32>
    %mul3A_424 = arith.mulf %mul3A_422, %mul3A_423 : vector<64x128x32xf32>
    %mul3A_425 = arith.constant 0.159154937 : f32
    %mul3A_426 = vector.broadcast %mul3A_425 : f32 to vector<64x128x32xf32>
    %mul3A_427 = arith.mulf %mul3A_424, %mul3A_426 : vector<64x128x32xf32>
    %add3A_428 = arith.constant 5.000000e-01 : f32
    %add3A_429 = vector.broadcast %add3A_428 : f32 to vector<64x128x32xf32>
    %add3A_430 = arith.addf %mul3A_427, %add3A_429 : vector<64x128x32xf32>
    %floor3A_431 = math.floor %add3A_430 : vector<64x128x32xf32>
    %sub3A_432 = arith.subf %mul3A_427, %floor3A_431 : vector<64x128x32xf32>
    %mul3A_433 = arith.mulf %sub3A_432, %sub3A_432 : vector<64x128x32xf32>
    %mul3A_434 = arith.constant 32.768528 : f32
    %mul3A_435 = vector.broadcast %mul3A_434 : f32 to vector<64x128x32xf32>
    %mul3A_436 = arith.mulf %mul3A_433, %mul3A_435 : vector<64x128x32xf32>
    %add3A_437 = arith.constant -74.470787 : f32
    %add3A_438 = vector.broadcast %add3A_437 : f32 to vector<64x128x32xf32>
    %add3A_439 = arith.addf %add3A_438, %mul3A_436 : vector<64x128x32xf32>
    %mul3A_440 = arith.mulf %mul3A_433, %add3A_439 : vector<64x128x32xf32>
    %add3A_441 = arith.constant 81.3654709 : f32
    %add3A_442 = vector.broadcast %add3A_441 : f32 to vector<64x128x32xf32>
    %add3A_443 = arith.addf %add3A_442, %mul3A_440 : vector<64x128x32xf32>
    %mul3A_444 = arith.mulf %mul3A_433, %add3A_443 : vector<64x128x32xf32>
    %add3A_445 = arith.constant -41.3311195 : f32
    %add3A_446 = vector.broadcast %add3A_445 : f32 to vector<64x128x32xf32>
    %add3A_447 = arith.addf %add3A_446, %mul3A_444 : vector<64x128x32xf32>
    %mul3A_448 = arith.mulf %mul3A_433, %add3A_447 : vector<64x128x32xf32>
    %add3A_449 = arith.constant 6.28305387 : f32
    %add3A_450 = vector.broadcast %add3A_449 : f32 to vector<64x128x32xf32>
    %add3A_451 = arith.addf %add3A_450, %mul3A_448 : vector<64x128x32xf32>
    %mul3A_452 = arith.mulf %sub3A_432, %add3A_451 : vector<64x128x32xf32>
    %mul3A_453 = arith.constant -21.0709057 : f32
    %mul3A_454 = vector.broadcast %mul3A_453 : f32 to vector<64x128x32xf32>
    %mul3A_455 = arith.mulf %mul3A_433, %mul3A_454 : vector<64x128x32xf32>
    %add3A_456 = arith.constant 58.7903786 : f32
    %add3A_457 = vector.broadcast %add3A_456 : f32 to vector<64x128x32xf32>
    %add3A_458 = arith.addf %add3A_457, %mul3A_455 : vector<64x128x32xf32>
    %mul3A_459 = arith.mulf %mul3A_433, %add3A_458 : vector<64x128x32xf32>
    %add3A_460 = arith.constant -8.527160e+01 : f32
    %add3A_461 = vector.broadcast %add3A_460 : f32 to vector<64x128x32xf32>
    %add3A_462 = arith.addf %add3A_461, %mul3A_459 : vector<64x128x32xf32>
    %mul3A_463 = arith.mulf %mul3A_433, %add3A_462 : vector<64x128x32xf32>
    %add3A_464 = arith.constant 64.9286575 : f32
    %add3A_465 = vector.broadcast %add3A_464 : f32 to vector<64x128x32xf32>
    %add3A_466 = arith.addf %add3A_465, %mul3A_463 : vector<64x128x32xf32>
    %mul3A_467 = arith.mulf %mul3A_433, %add3A_466 : vector<64x128x32xf32>
    %add3A_468 = arith.constant -19.7389812 : f32
    %add3A_469 = vector.broadcast %add3A_468 : f32 to vector<64x128x32xf32>
    %add3A_470 = arith.addf %add3A_469, %mul3A_467 : vector<64x128x32xf32>
    %mul3A_471 = arith.mulf %mul3A_433, %add3A_470 : vector<64x128x32xf32>
    %add3A_472 = arith.constant 0.999999225 : f32
    %add3A_473 = vector.broadcast %add3A_472 : f32 to vector<64x128x32xf32>
    %add3A_474 = arith.addf %add3A_473, %mul3A_471 : vector<64x128x32xf32>
    %convert_element_type3A_475 = arith.truncf %mul3A_452 : vector<64x128x32xf32> to vector<64x128x32xbf16>
    %reshape3A_476 = vector.shape_cast %convert_element_type3A_475 : vector<64x128x32xbf16> to vector<8192x32xbf16>
    %convert_element_type3A_477 = arith.truncf %add3A_474 : vector<64x128x32xf32> to vector<64x128x32xbf16>
    %reshape3A_478 = vector.shape_cast %convert_element_type3A_477 : vector<64x128x32xbf16> to vector<8192x32xbf16>
    %dot_general3A_479 = arith.constant dense<0.000000e+00> : vector<8192x64xf32>
    %dot_general3A_480 = tpu.matmul %reshape3A_476, %get3A_417, %dot_general3A_479 {dimension_numbers = #tpu.dot_dimension_numbers<[1], [0], [0], [1], [0, 0, 1, 1], [], []>, transpose_lhs_hint = false} : vector<8192x32xbf16>, vector<32x64xbf16>, vector<8192x64xf32> -> vector<8192x64xf32>
    %dot_general3A_481 = arith.constant dense<0.000000e+00> : vector<8192x64xf32>
    %dot_general3A_482 = tpu.matmul %reshape3A_478, %get3A_420, %dot_general3A_481 {dimension_numbers = #tpu.dot_dimension_numbers<[1], [0], [0], [1], [0, 0, 1, 1], [], []>, transpose_lhs_hint = false} : vector<8192x32xbf16>, vector<32x64xbf16>, vector<8192x64xf32> -> vector<8192x64xf32>
    %add3A_483 = arith.addf %dot_general3A_480, %dot_general3A_482 : vector<8192x64xf32>
    %reshape3A_484 = vector.shape_cast %add3A_483 : vector<8192x64xf32> to vector<64x128x64xf32>
    %get3A_485 = arith.constant 0 : index
    %get3A_486 = arith.constant 0 : index
    %get3A_487 = arith.constant 0 : index
    %get3A_488 = vector.load %arg11[%get3A_485, %get3A_486, %get3A_487] : memref<64x128x64xf32, #tpu.memory_space<vmem>>, vector<64x128x64xf32>
    %add3A_489 = arith.addf %get3A_488, %reshape3A_484 : vector<64x128x64xf32>
    %get3A_490 = arith.constant 0 : index
    %get3A_491 = arith.constant 0 : index
    %get3A_492 = vector.load %arg10[%get3A_490, %get3A_491] : memref<1x64xf32, #tpu.memory_space<vmem>>, vector<1x64xf32>
    %reshape3A_493 = vector.shape_cast %get3A_492 : vector<1x64xf32> to vector<1x1x64xf32>
    %add3A_494 = vector.broadcast %reshape3A_493 : vector<1x1x64xf32> to vector<64x128x64xf32>
    %add3A_495 = arith.addf %add3A_489, %add3A_494 : vector<64x128x64xf32>
    %swap3A_496 = arith.constant 0 : index
    %swap3A_497 = arith.constant 0 : index
    %swap3A_498 = arith.constant 0 : index
    %swap3A_499 = vector.load %arg11[%swap3A_496, %swap3A_497, %swap3A_498] : memref<64x128x64xf32, #tpu.memory_space<vmem>>, vector<64x128x64xf32>
    tpu.vector_store %arg11[%swap3A_496, %swap3A_497, %swap3A_498], %add3A_495 {strides = array<i32>} : memref<64x128x64xf32, #tpu.memory_space<vmem>>, vector<64x128x64xf32>,
    return
  }
  func.func @transform_0(%arg0: i32, %arg1: i32) -> (i32, i32) {
    %c0_i32 = arith.constant 0 : i32
    %c0_i32_0 = arith.constant 0 : i32
    return %c0_i32, %arg1 : i32, i32
  }
  func.func @transform_1(%arg0: i32, %arg1: i32) -> (i32, i32) {
    %c0_i32 = arith.constant 0 : i32
    %c0_i32_0 = arith.constant 0 : i32
    return %arg0, %c0_i32 : i32, i32
  }
  func.func @transform_2(%arg0: i32, %arg1: i32) -> (i32, i32) {
    %c0_i32 = arith.constant 0 : i32
    %c0_i32_0 = arith.constant 0 : i32
    return %arg0, %c0_i32 : i32, i32
  }
  func.func @transform_3(%arg0: i32, %arg1: i32) -> (i32, i32) {
    %c0_i32 = arith.constant 0 : i32
    %c0_i32_0 = arith.constant 0 : i32
    %c0_i32_1 = arith.constant 0 : i32
    return %c0_i32, %c0_i32_0 : i32, i32
  }
  func.func @transform_4(%arg0: i32, %arg1: i32) -> (i32, i32) {
    %c0_i32 = arith.constant 0 : i32
    %c0_i32_0 = arith.constant 0 : i32
    %c0_i32_1 = arith.constant 0 : i32
    return %c0_i32, %c0_i32_0 : i32, i32
  }
  func.func @transform_5(%arg0: i32, %arg1: i32) -> (i32, i32) {
    %c0_i32 = arith.constant 0 : i32
    %c0_i32_0 = arith.constant 0 : i32
    %c0_i32_1 = arith.constant 0 : i32
    return %c0_i32, %c0_i32_0 : i32, i32
  }
  func.func @transform_6(%arg0: i32, %arg1: i32) -> (i32, i32) {
    %c0_i32 = arith.constant 0 : i32
    %c0_i32_0 = arith.constant 0 : i32
    %c0_i32_1 = arith.constant 0 : i32
    return %c0_i32, %c0_i32_0 : i32, i32
  }
  func.func @transform_7(%arg0: i32, %arg1: i32) -> (i32, i32) {
    %c0_i32 = arith.constant 0 : i32
    %c0_i32_0 = arith.constant 0 : i32
    %c0_i32_1 = arith.constant 0 : i32
    return %c0_i32, %c0_i32_0 : i32, i32
  }
  func.func @transform_8(%arg0: i32, %arg1: i32) -> (i32, i32) {
    %c0_i32 = arith.constant 0 : i32
    %c0_i32_0 = arith.constant 0 : i32
    %c0_i32_1 = arith.constant 0 : i32
    return %c0_i32, %c0_i32_0 : i32, i32
  }
  func.func @transform_9(%arg0: i32, %arg1: i32) -> (i32, i32, i32) {
    %c0_i32 = arith.constant 0 : i32
    %c0_i32_0 = arith.constant 0 : i32
    return %arg0, %arg1, %c0_i32 : i32, i32, i32
  }
}

</mosaic_0001>

<sc_bundles>
// kernel: sparse-core-data-format-call.cloned.1.call-start
scs
called_computation_lowered:
.L_overlay_start_0:
0x0: {  	s2 =	sld [smem:$0x3FD9]  }
0x1: {  	s3 =	sld [smem:$0x3FFE];
	_ =	sdelay $0x1  }
0x2: {  	s1 =	srdreg.scid  }
0x3: {  	s0 =	sand.u32 $0x1, s1  }
0x4: {  	s18 =	sshll.u32 s0, $0xA;
	s2 =	sadd.s32 s3, s2  }
0x5: {  	s2 =	sadd.s32 s2, s18  }
0x6: {  	[smem:$0x3FC3] =	sst s2  }
0x7: {  	_ = 	snop  }
0x8: {  	s2 =	sld [smem:$0x3FD0];
	(tm) =	ssettm $0x1  }
0x9: {  	s19 =	sld [smem:$0x3FFB];
	_ =	sdelay $0x3  }
0xa: {  	_ =	strace s19  }
0xb: {  	s3 =	sld [smem:$0x3FFC];
	_ =	sdelay $0x3  }
0xc: {  	_ =	strace s3  }
0xd: {  	s3 =	sld [smem:$0x3FFD];
	_ =	sdelay $0x3  }
0xe: {  	_ =	strace s3  }
0xf: {  	_ =	strace $0x8FFFFFFF  }
0x10: {  	s20 =	sld [smem:$0x3FDB];
	_ =	sdelay $0x1  }
0x11: {  	s4 =	simm.s32 $_scs_section_size  }
0x12: {  	s5 =	simm.s32 $_size__tile_overlayer_lowered;
	s6 =	simm.s32 $_tile_overlayer_lowered  }
0x13: {  	s23 =	simm.s32 $0x1BFF;
	s22 =	sshll.u32 s6, $0x1;
	s3 =	sadd.s32 s4, s20  }
0x14: {  	s7 =	simm.s32 $0x0;
	s21 =	sshll.u32 s5, $0x1;
	s5 =	sadd.s32 s22, s3  }
0x15: {  	[timem:s7], [sflag:s23] =	dma.local [hbm:s5], s21  }
0x16: {  	_ =	swait.ge [sflag:s23], s21  }
0x17: {  	s4 =	ssub.s32 $0x0, s21;
	[sflag:s23] =	ssyncset.done $0x0  }
0x18: {  	[sflag:s23] =	ssyncadd.s32 s4;
	_ =	sdelay $0x1  }
0x19: {  	s24 =	simm.s32 $0x1B8B  }
0x1a: {  	_ =	swait.ge [sflag:s24], $0x1  }
0x1b: {  	[sflag:s24] =	ssyncset.done $0x0  }
0x1c: {  	s26 =	simm.s32 $0x1B8E;
	s25 =	sld [smem:$0x3FFE];
	[sflag:s24] =	ssyncadd.s32 $0xFFFFFFFF  }
0x1d: {  	s27 =	simm.s32 $execute0_lowered;
	[smem:$0x3FD2] =	sst s26  }
0x1e: {  	s5 =	sshll.u32 s27, $0x1;
	_ =	strace $0x80000046;
	[dreg:$0x1] =	wrdreg $0xFFFFFFFF  }
0x1f: {  	s28 =	simm.s32 $_size_execute0_lowered;
	s3 =	sadd.s32 s3, s5;
	[dreg:$0x0] =	wrdreg $0x0  }
0x20: {  	s5 =	sshll.u32 s28, $0x1;
	[dreg:$0x2] =	wrdreg s3  }
0x21: {  	[dreg:$0x3] =	wrdreg s5  }
0x22: {  	[dreg:$0x4] =	wrdreg $0xC0  }
0x23: {  	_ =	task [dreg:s7], $0x5FFFF  }
0x24: {  	[dreg:$0x1] =	wrdreg $0xFFFFFFFF  }
0x25: {  	[dreg:$0x0] =	wrdreg $0x60  }
0x26: {  	[dreg:$0x2] =	wrdreg s25  }
0x27: {  	[dreg:$0x3] =	wrdreg s2  }
0x28: {  	[dreg:$0x4] =	wrdreg $0x9  }
0x29: {  	_ =	task.clear_ibuf [dreg:s7], $0x5FFFF;
	_ =	strace $0x90000046  }
0x2a: {  	s29 =	simm.s32 $0x9;
	_ =	strace $0x80000048  }
0x2b: {  	_ =	swait.ge [sflag:s29], $0x1  }
0x2c: {  	[sflag:s29] =	ssyncadd.s32 $0xFFFFFFFF  }
0x2d: {  	_ =	strace $0x90000048  }
0x2e: {  	_ =	sfence  }
0x2f: {  	s30 =	sld [smem:$0x0];
	_ =	sdelay $0x2  }
0x30: {  	s31 =	sshll.u32 s1, $0xD;
	s1 =	sshrl.u32 s1, $0x2  }
0x31: {  	s3 =	sand.u32 $0x4000, s31;
	s1 =	sadd.s32 s1, s30  }
0x32: {  	s0 =	sor.u32 s3, s0;
	s1 =	sshll.u32 s1, $0x11  }
0x33: {  	s0 =	sor.u32 s1, s0  }
0x34: {  	s0 =	sadd.s32 $0x8F2B, s0  }
0x35: {  	[sflag:s0] =	ssyncadd.remote.s32 $0x1  }
0x36: {  	_ =	sfence.sel $0xFFFF  }
0x37: {  	[dreg:$0x0] =	wrdreg $0xFFFFFFFF;
	(pc) =	sbr.abs _section_cstart, $3  }
0x38: {  	[dreg:$0x1] =	wrdreg $0xFFFFFFFF  }
0x39: {  	_ =	task.clear_ibuf [dreg:s7], $0x2FFFF;
	_ =	strace $0x9FFFFFFF  }
0x3a: {  	(tm) =	ssettm $0x7FFFFFFF  }
0x3b: {  	_ =	shalt  }
tec
execute0_lowered:
.L_overlay_start_1:
0x0: {  	(tag) =	ssettag $0x1  }
0x1: {  	s0 =	srdreg.scid  }
0x2: {  	s7 =	rddreg [dreg:$0x0];
	s1 =	sshll.u32 s0, $0x4  }
0x3: {  	s3 =	rddreg [dreg:$0x1];
	s0 =	stileid.u32;
	s1 =	sand.u32 $0x10, s1  }
0x4: {  	s6 =	simm.s32 $0x1;
	s31 =	simm.s32 $0x2;
	s1 =	sor.u32 s0, s1  }
0x5: {  	s13 =	simm.s32 $0x0;
	s9 =	simm.s32 $0x2000;
	s2 =	sshll.u32 s1, $0x1  }
0x6: {  	s14 =	simm.s32 $0x0;
	s10 =	simm.s32 $0x0;
	s4 =	ssub.s32 $0x400, s2  }
0x7: {  	s12 =	simm.s32 $0x0;
	s1 =	rddreg [dreg:$0x2];
	s5 =	sand.u32 $0x3E, s4  }
.Ltmp0:
0x8: {  	_ =	strace $0x80000047;
	p0 =	sne.s32 s5, $0x0;
	(pc) =	sbr.rel .LBB1_1-.Ltmp0, $4  }
0x9: {  	s11 =	smov.u32 s2;
	s8 =	sshrl.u32 s4, $0x6;
	s6 =	simm.s32 @!p0 $0x0  }
0xa: {  	s4 =	sadd.s32 $0xA00, s7;
	s5 =	simm.s32 $0x1;
	s6 =	sadd.s32 s6, s8  }
0xb: {  	s7 =	sadd.s32 $0x4A00, s7;
	[sflag:s5] =	ssyncpa.u1 $0x0;
	s6 =	sshll.u32 s6, $0x3  }
0xc: {  	p0 =	por $0x0, $0x0;
	[sflag:s31] =	ssyncpa.u1 $0x0;
	s8 =	sor.u32 $0x1, s6  }
.LBB1_7:
0xd: {  	s15 =	sadd.s32 $0x80, s10  }
0xe: {  	s13 =	sadd.s32 $0x40, s11;
	s17 =	smov.u32 s11;
	p2 =	sgt.s32 s15, $0x3FF  }
0xf: {  	s17 =	smov.u32 @p2 s13  }
0x10: {  	s15 =	simm.s32 @p2 $0x0;
	p2 =	sgt.s32 s17, $0x3FF  }
0x11: {  	s17 =	smov.u32 @p2 s2;
	p2 =	sne.s32 s12, s8  }
.Ltmp1:
0x12: {  	p1 =	slt.u32 s12, $0x2;
	(pc) =	sbr.rel @!p2 .LBB1_8-.Ltmp1, $4  }
0x13: {  	s16 =	simm.s32 @!p1 $0x2  }
0x14: {  	s14 =	smov.u32 s11;
	p0 =	por !p0, !p0;
	_ =	swait.ge @!p1 [sflag:s16], $0x4000  }
0x15: {  	s13 =	smov.u32 s10;
	[sflag:s16] =	ssyncset.done @!p1 $0x0;
	s10 =	smov.u32 s15  }
0x16: {  	s12 =	sadd.s32 $0x1, s12;
	[sflag:s16] =	ssyncadd.s32 @!p1 $0xFFFFC000;
	s11 =	smov.u32 s17  }
.LBB1_1:
0x17: {  	p1 =	sge.u32 s12, s6  }
0x18: {  	s15 =	sxor.u32 @!p1 $0xFFFFFFFF, s12;
	s16 =	sshll.u32 @!p1 s11, $0xE  }
0x19: {  	s17 =	sshll.u32 @!p1 s10, $0x4;
	s19 =	simm.s32 @!p1 $0x40;
	s20 =	simm.s32 @!p1 $0x80  }
0x1a: {  	s15 =	sshll.u32 @!p1 s15, $0xE;
	s17 =	sand.u32 @!p1 $0x3FF0, s17;
	s18 =	sadd.s32 @!p1 s4, s16  }
0x1b: {  	s16 =	sadd.s32 @!p1 s16, s7;
	s15 =	sand.u32 @!p1 $0x4000, s15;
	s18 =	sadd.s32 @!p1 s17, s18  }
0x1c: {  	[tilespmem:s15], [sflag:$0x1] =	stream.strided.gather @!p1 [hbm4b:s18+s19], $0x2000, s20, s19, $0x38;
	[tilespmem:$0x10100] =	vst v63  }
0x1d: {  	s31 =	sadd.s32 $0xFFFFFFFF, s12;
	s16 =	sadd.s32 @!p1 s17, s16;
	s15 =	sor.u32 @!p1 $0x2000, s15  }
0x1e: {  	[tilespmem:s15], [sflag:$0x1] =	stream.strided.gather @!p1 [hbm4b:s16+s19], $0x2000, s20, s19, $0x38;
	[tilespmem:$0x10100] =	vst v63  }
0x1f: {  	p1 =	sge.u32 s31, s6  }
.Ltmp2:
0x20: {  	_ = 	snop;
	(pc) =	sbr.rel @p1 .LBB1_7-.Ltmp2, $1  }
0x21: {  	_ =	sdelay $0x3  }
0x22: {  	s15 =	simm.s32 $0x1;
	s17 =	sand.u32 $0x1, s12  }
0x23: {  	_ =	swait.ge [sflag:s5], $0x4000;
	s15 =	simm.s32 @!p0 $0x0;
	s17 =	smul.u32 $0x10200, s17  }
0x24: {  	p2 =	por $0x1, $0x1;
	[sflag:s5] =	ssyncset.done $0x0;
	s16 =	smul.u32 $0x10200, s15  }
0x25: {  	s18 =	sshll.u32 s15, $0x10;
	[sflag:s5] =	ssyncadd.s32 $0xFFFFC000;
	s30 =	sshrl.u32 s17, $0x2  }
0x26: {  	s31 =	sshrl.u32 s18, $0x2;
	s18 =	simm.s32 $0x0;
	s16 =	sshrl.u32 s16, $0x2  }
0x27: {  	s15 =	sor.u32 $0x8000, s30;
	s17 =	sadd.s32 $0x20, s31;
	s16 =	sor.u32 $0x8000, s16  }
.LBB1_3:
0x28: {  	s19 =	sshll.u32 s18, $0xD  }
0x29: {  	s19 =	sand.u32 $0x3FFFE000, s19  }
0x2a: {  	s21 =	sadd.s32 s19, s17  }
0x2b: {  	s31 =	smul.u32 $0x8100, s18;
	v3 =	vld [tilespmem:s21+$0x10]  }
0x2c: {  	v1 =	vld [tilespmem:s21+$0xFFFFFFF0]  }
0x2d: {  	s18 =	sshra.s32 s31, $0x2;
	v0 =	vld [tilespmem:s21+$0x0]  }
0x2e: {  	s18 =	sadd.s32 s18, s16;
	v2 =	vld [tilespmem:s21+$0xFFFFFFE0]  }
0x2f: {  	s19 =	sadd.s32 $0x0, s18  }
0x30: {  	p1 =	por p2, p2;
	s20 =	simm.s32 $0x4;
	s21 =	sadd.s32 $0x40, s21;
	[tilespmem:s19+$0x1830 ss:$0x81] =	vst.msk $0xffff, v3  }
.LBB1_4:
0x31: {  	v3 =	vld [tilespmem:s21+$0x10];
	p2 =	sne.s32 s20, $0x1FC;
	[tilespmem:s19+$0x810 ss:$0x81] =	vst.msk $0xffff, v1;
	s22 =	smov.u32 s20;
	s20 =	sadd.s32 $0x4, s20  }
.Ltmp3:
0x32: {  	v1 =	vld [tilespmem:s21+$0xFFFFFFF0];
	[tilespmem:s19+$0x1020 ss:$0x81] =	vst.msk $0xffff, v0;
	(pc) =	sbr.rel @p2 .LBB1_4-.Ltmp3, $4  }
0x33: {  	v0 =	vld [tilespmem:s21+$0x0];
	[tilespmem:s19+$0x0 ss:$0x81] =	vst.msk $0xffff, v2  }
0x34: {  	s19 =	sshra.s32 s22, $0x2;
	v2 =	vld [tilespmem:s21+$0xFFFFFFE0]  }
0x35: {  	s19 =	sadd.s32 s19, s18  }
0x36: {  	s21 =	sadd.s32 $0x40, s21;
	[tilespmem:s19+$0x1830 ss:$0x81] =	vst.msk $0xffff, v3  }
.Ltmp4:
0x37: {  	(pc) =	sbr.rel @p1 .LBB1_3-.Ltmp4, $4  }
0x38: {  	_ = 	snop  }
0x39: {  	[tilespmem:s19+$0x810 ss:$0x81] =	vst.msk $0xffff, v1  }
0x3a: {  	[tilespmem:s19+$0x1020 ss:$0x81] =	vst.msk $0xffff, v0  }
0x3b: {  	s18 =	simm.s32 $0x1;
	p2 =	por $0x0, $0x0;
	[tilespmem:s19+$0x0 ss:$0x81] =	vst.msk $0xffff, v2  }
.Ltmp5:
0x3c: {  	s16 =	sand.u32 $0x1F80, s13;
	s14 =	sshll.u32 s14, $0xD;
	(pc) =	sbr.rel .LBB1_7-.Ltmp5, $4  }
0x3d: {  	s17 =	sshrl.u32 s13, $0x3;
	s31 =	sand.u32 $0x7, s13;
	s14 =	sadd.s32 s3, s14  }
0x3e: {  	s17 =	sand.u32 $0xF, s17;
	s13 =	sshll.u32 s31, $0x12;
	s14 =	sadd.s32 s16, s14  }
0x3f: {  	s13 =	sor.u32 $0x400, s13;
	s14 =	sadd.s32 s17, s14  }
0x40: {  	[hbm4b:s14+s13] =	stream.strided.scatter [tilespmem:s15], [sflag:$0x2], $0x4000, s9, s13, $0x20;
	[tilespmem:$0x10100] =	vst v63  }
.LBB1_8:
0x41: {  	_ =	sfence.sel $0x180000  }
0x42: {  	s2 =	simm.s32 $0x1;
	[bflag:$0x0] =	sbarrier.arrive $0xFFFF  }
0x43: {  	s31 =	simm.s32 $0x2;
	[sflag:s2] =	ssyncpa.u1 $0x1  }
0x44: {  	[sflag:s31] =	ssyncpa.u1 $0x1  }
0x45: {  	p0 =	sne.s32 s0, $0x0;
	_ =	strace $0x90000047  }
0x46: {  	s0 =	sadd.s32 @!p0 $0x100000, s1;
	[bflag:$0x2] =	sbarrier.arrive $0xFFFF  }
0x47: {  	[sflag:s0] =	ssyncadd.tile.s32 @!p0 $0x1;
	_ =	shalt  }
.Lfunc_end1:
_tile_overlayer_lowered:
.L_overlay_start_2:
0x48: {  	(tag) =	ssettag $0x2  }
0x49: {  	s0 =	rddreg [dreg:$0x0];
	s2 =	stileid.u32  }
0x4a: {  	s1 =	rddreg [dreg:$0x1];
	p0 =	sne.s32 s2, $0x0  }
0x4b: {  	s3 =	rddreg [dreg:$0x2];
	[bflag:$0x3] =	sbarrier.arrive $0xFFFF;
	s2 =	simm.s32 @!p0 $0x1C01  }
0x4c: {  	[timem:s3], [sflag:s2] =	dma.local @!p0 [hbm:s0], s1  }
0x4d: {  	s0 =	simm.s32 @!p0 $0x1  }
0x4e: {  	_ =	swait.ge @!p0 [sflag:s0], s1  }
0x4f: {  	s1 =	ssub.s32 @!p0 $0x0, s1;
	[sflag:s0] =	ssyncset.done @!p0 $0x0  }
0x50: {  	[sflag:s0] =	ssyncadd.s32 @!p0 s1  }
0x51: {  	[bflag:$0x3] =	sbarrier.arrive $0xFFFF  }
0x52: {  	_ =	shalt  }

</sc_bundles>
